<compile_context>
chip_gen: v7x
topology: tpu7x:2x2x1
jax: 0.10.2.dev20260603
libtpu: 0.0.44.dev20260713+nightly
codegen_flags: <defaults>
</compile_context>

<pallas_src>
import functools

import jax
import jax.numpy as jnp
from jax import lax
from jax.experimental import pallas as pl
from jax.experimental.pallas import tpu as pltpu
from jax.experimental.pallas import tpu_sc as plsc

N = 10000
E = 320000
D = 128
NC = 2
NS = 16
NW = NC * NS
EPW = E // NW
B = 80
NIT = EPW // B
NP = 10240
RPT = NP // NS
K = 512.0


def _sc_aggregate(xk, src, dst3, zacc):
    mesh = plsc.VectorSubcoreMesh(core_axis_name="c", subcore_axis_name="s")

    @functools.partial(
        pl.kernel,
        mesh=mesh,
        out_type=jax.ShapeDtypeStruct((NC, NP, D), jnp.float32),
        scratch_types=[
            pltpu.VMEM((EPW,), jnp.int32),
            pltpu.VMEM((NIT, B), jnp.int32),
            pltpu.VMEM((B, D), jnp.float32),
            pltpu.VMEM((B, D), jnp.float32),
            pltpu.VMEM_SHARED((NP, D), jnp.float32),
            pltpu.SemaphoreType.DMA,
            pltpu.SemaphoreType.DMA,
            pltpu.SemaphoreType.DMA,
            pltpu.SemaphoreType.DMA,
        ],
    )
    def k(x_hbm, src_hbm, dst_hbm, zacc_hbm,
          t2_out, sidx, didx, rows0, rows1, acc_sh, gsem0, gsem1,
          zsem0, zsem1):
        c = lax.axis_index("c")
        s = lax.axis_index("s")
        wid = c * NS + s

        pltpu.async_copy(src_hbm.at[pl.ds(wid * EPW, EPW)], sidx, gsem0)
        pltpu.async_copy(dst_hbm.at[wid], didx, gsem1)

        zb = (rows0, rows1)
        zs = (zsem0, zsem1)
        pltpu.async_copy(zacc_hbm.at[pl.ds(s * RPT, B)], rows0, zsem0)
        for j in range(RPT // B):
            off = s * RPT + j * B
            cur, csem = zb[j % 2], zs[j % 2]
            if j + 1 < RPT // B:
                pltpu.async_copy(zacc_hbm.at[pl.ds(off + B, B)],
                                 zb[(j + 1) % 2], zs[(j + 1) % 2])
            pltpu.make_async_copy(zacc_hbm.at[pl.ds(off, B)], cur,
                                  csem).wait()
            pltpu.sync_copy(cur, acc_sh.at[pl.ds(off, B)])
        pltpu.make_async_copy(src_hbm.at[pl.ds(wid * EPW, EPW)], sidx,
                              gsem0).wait()
        pltpu.make_async_copy(dst_hbm.at[wid], didx, gsem1).wait()
        plsc.subcore_barrier()

        pltpu.async_copy(x_hbm.at[sidx.at[pl.ds(0, B)]], rows0, gsem0)

        def pair(t, carry):
            g0 = 2 * t
            g1 = g0 + 1
            pltpu.async_copy(x_hbm.at[sidx.at[pl.ds(g1 * B, B)]], rows1,
                             gsem1)
            pltpu.make_async_copy(x_hbm.at[sidx.at[pl.ds(g0 * B, B)]], rows0,
                                  gsem0).wait()
            pltpu.sync_copy(rows0, acc_sh.at[didx.at[g0]], add=True)
            pltpu.async_copy(x_hbm.at[sidx.at[pl.ds((g0 + 2) * B, B)]], rows0,
                             gsem0)
            pltpu.make_async_copy(x_hbm.at[sidx.at[pl.ds(g1 * B, B)]], rows1,
                                  gsem1).wait()
            pltpu.sync_copy(rows1, acc_sh.at[didx.at[g1]], add=True)
            return carry

        lax.fori_loop(0, (NIT - 1) // 2, pair, 0)
        pltpu.make_async_copy(x_hbm.at[sidx.at[pl.ds((NIT - 1) * B, B)]],
                              rows0, gsem0).wait()
        pltpu.sync_copy(rows0, acc_sh.at[didx.at[NIT - 1]], add=True)
        plsc.subcore_barrier()

        pltpu.async_copy(acc_sh.at[pl.ds(s * RPT, B)], rows0, zsem0)
        for j in range(RPT // B):
            off = s * RPT + j * B
            cur, csem = zb[j % 2], zs[j % 2]
            if j + 1 < RPT // B:
                pltpu.async_copy(acc_sh.at[pl.ds(off + B, B)],
                                 zb[(j + 1) % 2], zs[(j + 1) % 2])
            pltpu.make_async_copy(acc_sh.at[pl.ds(off, B)], cur, csem).wait()
            pltpu.sync_copy(cur, t2_out.at[c, pl.ds(off, B)])

    return k(xk, src, dst3, zacc)


def _tc_combine(x, W_self, W_neigh, b2, t0, t1):
    BLK = 1000
    grid = N // BLK

    def body(x_ref, ws_ref, wn_ref, b_ref, t0_ref, t1_ref, o_ref):
        d0 = jnp.floor(t0_ref[:, 0:1] * (1.0 / K) + 0.5)
        d1 = jnp.floor(t1_ref[:, 0:1] * (1.0 / K) + 0.5)
        ssum = (t0_ref[...] - d0 * K) + (t1_ref[...] - d1 * K)
        h = ssum / jnp.maximum(d0 + d1, 1.0)
        o_ref[...] = (
            jnp.dot(x_ref[...], ws_ref[...], preferred_element_type=jnp.float32)
            + jnp.dot(h, wn_ref[...], preferred_element_type=jnp.float32)
            + b_ref[...])

    return pl.pallas_call(
        body,
        grid=(grid,),
        in_specs=[
            pl.BlockSpec((BLK, D), lambda i: (i, 0)),
            pl.BlockSpec((D, D), lambda i: (0, 0)),
            pl.BlockSpec((D, D), lambda i: (0, 0)),
            pl.BlockSpec((1, D), lambda i: (0, 0)),
            pl.BlockSpec((BLK, D), lambda i: (i, 0)),
            pl.BlockSpec((BLK, D), lambda i: (i, 0)),
        ],
        out_specs=pl.BlockSpec((BLK, D), lambda i: (i, 0)),
        out_shape=jax.ShapeDtypeStruct((N, D), jnp.float32),
    )(x, W_self, W_neigh, b2, t0, t1)


def kernel(x, edge_index, W_self, W_neigh, b):
    src = edge_index[0].astype(jnp.int32)
    dst3 = edge_index[1].astype(jnp.int32).reshape(NW, NIT, B)
    xk = x + jnp.float32(K)
    zacc = jnp.zeros((NP, D), jnp.float32)
    t2 = _sc_aggregate(xk, src, dst3, zacc)
    return _tc_combine(x, W_self, W_neigh, b.reshape(1, D), t2[0], t2[1])

# --- scband reference (transcript-rebuilt; emitter-appended) ---
"""Pipeline reference for scband-sage-20710332301835 (READ-ONLY COPY).

The authoritative reference and input builder live on the scoring server;
editing this copy changes nothing except your own understanding.
"""

import jax, jax.numpy as jnp
import numpy as np

N_NODES = 10000
N_EDGES = 320000
D_IN = 128
D_OUT = 128

def setup_inputs(seed: int = 0) -> dict:
    key = jax.random.key(seed)
    k_x, k_e, k_ws, k_wn, k_b = jax.random.split(key, 5)
    x = jax.random.normal(k_x, (N_NODES, D_IN), dtype=jnp.float32)
    edge_index = jax.random.randint(k_e, (2, N_EDGES), 0, N_NODES, dtype=jnp.int64)
    # Learned parameters of the single SAGEConv layer (mean aggregator):
    # fc_self: [D_IN, D_OUT], fc_neigh: [D_IN, D_OUT], bias: [D_OUT]
    W_self = jax.random.normal(k_ws, (D_IN, D_OUT), dtype=jnp.float32) * (1.0 / np.sqrt(D_IN))
    W_neigh = jax.random.normal(k_wn, (D_IN, D_OUT), dtype=jnp.float32) * (1.0 / np.sqrt(D_IN))
    b = jnp.zeros((D_OUT,), dtype=jnp.float32)
    return {"x": x, "edge_index": edge_index, "W_self": W_self, "W_neigh": W_neigh, "b": b}

def reference(x, edge_index, W_self, W_neigh, b):
    # SAGE.forward with a single SAGEConv layer (mean aggregator).
    # Since the layer is the last (and only) layer, no activation/dropout is applied.
    src = edge_index[0]
    dst = edge_index[1]
    # Gather source-node features along edges (SparseCore gather)
    msgs = jnp.take(x, src, axis=0)  # [E, D_IN]
    # Mean aggregation: scatter-add messages to destination nodes, divide by in-degree
    summed = jax.ops.segment_sum(msgs, dst, num_segments=N_NODES)  # [N, D_IN]
    deg = jax.ops.segment_sum(jnp.ones((N_EDGES,), dtype=jnp.float32), dst, num_segments=N_NODES)
    h_neigh = summed / jnp.maximum(deg, 1.0)[:, None]
    # DGL SAGEConv (mean): out = fc_self(h_dst) + fc_neigh(h_neigh) + bias
    out = x @ W_self + h_neigh @ W_neigh + b
    return out

if __name__ == "__main__":
    import jax
    _d = setup_inputs()
    print(jax.jit(kernel)(*tuple(_d.values())))

</pallas_src>

<mosaic_0001>
#map = affine_map<(d0, d1) -> (0, 0)>
#map1 = affine_map<(d0, d1) -> (0)>
#map2 = affine_map<(d0, d1) -> (0, 0, 0)>
module attributes {stable_mosaic.version = 14 : i64} {
  func.func @k(%arg0: i32, %arg1: i32, %arg2: memref<10000x128xf32, #tpu.memory_space<hbm>>, %arg3: memref<320000xi32, #tpu.memory_space<hbm>>, %arg4: memref<32x125x80xi32, #tpu.memory_space<hbm>>, %arg5: memref<10240x128xf32, #tpu.memory_space<hbm>>, %arg6: memref<2x10240x128xf32, #tpu.memory_space<hbm>>, %arg7: memref<10000xi32, #tpu.memory_space<vmem>>, %arg8: memref<125x80xi32, #tpu.memory_space<vmem>>, %arg9: memref<80x128xf32, #tpu.memory_space<vmem>>, %arg10: memref<80x128xf32, #tpu.memory_space<vmem>>, %arg11: memref<10240x128xf32, #tpu.memory_space<vmem_shared>>, %arg12: memref<!tpu.dma_semaphore, #tpu.memory_space<semaphore_mem>>, %arg13: memref<!tpu.dma_semaphore, #tpu.memory_space<semaphore_mem>>, %arg14: memref<!tpu.dma_semaphore, #tpu.memory_space<semaphore_mem>>, %arg15: memref<!tpu.dma_semaphore, #tpu.memory_space<semaphore_mem>>) attributes {dimension_semantics = [#tpu.dimension_semantics<core_parallel>, #tpu.dimension_semantics<subcore_parallel>], iteration_bounds = array<i64: 2, 16>, scalar_prefetch = 0 : i64, scratch_operands = 9 : i64, tpu.core_type = #tpu.core_type<sc_vector_subcore>, window_params = [{transform_indices = #map}, {transform_indices = #map1}, {transform_indices = #map2}, {transform_indices = #map}, {transform_indices = #map2}]} {
    %mul3A = arith.constant 16 : i32
    %mul3A_0 = arith.muli %arg0, %mul3A : i32
    %add3A = arith.addi %mul3A_0, %arg1 : i32
    %mul3A_1 = arith.constant 10000 : i32
    %mul3A_2 = arith.muli %add3A, %mul3A_1 : i32
    %dma_start3A = tpu.memref_slice %arg3[%mul3A_2] : memref<320000xi32, #tpu.memory_space<hbm>> -> memref<10000xi32, #tpu.memory_space<hbm>>
    %dma_start3A_3 = tpu.memref_slice %arg3[%mul3A_2] : memref<320000xi32, #tpu.memory_space<hbm>> -> memref<10000xi32, #tpu.memory_space<hbm>>
    tpu.enqueue_dma source(%dma_start3A_3 : memref<10000xi32, #tpu.memory_space<hbm>>) target(%arg7 : memref<10000xi32, #tpu.memory_space<vmem>>) target_semaphore(%arg12 : memref<!tpu.dma_semaphore, #tpu.memory_space<semaphore_mem>>)
    %dma_start3A_4 = arith.constant 0 : i32
    %dma_start3A_5 = arith.constant 0 : i32
    %dma_start3A_6 = tpu.memref_slice %arg4[%add3A, %dma_start3A_4, %dma_start3A_5] : memref<32x125x80xi32, #tpu.memory_space<hbm>> -> memref<1x125x80xi32, #tpu.memory_space<hbm>>
    %dma_start3A_7 = tpu.memref_squeeze %dma_start3A_6 : memref<1x125x80xi32, #tpu.memory_space<hbm>> -> memref<125x80xi32, #tpu.memory_space<hbm>>
    %dma_start3A_8 = arith.constant 0 : i32
    %dma_start3A_9 = arith.constant 0 : i32
    %dma_start3A_10 = tpu.memref_slice %arg4[%add3A, %dma_start3A_8, %dma_start3A_9] : memref<32x125x80xi32, #tpu.memory_space<hbm>> -> memref<1x125x80xi32, #tpu.memory_space<hbm>>
    %dma_start3A_11 = tpu.memref_squeeze %dma_start3A_10 : memref<1x125x80xi32, #tpu.memory_space<hbm>> -> memref<125x80xi32, #tpu.memory_space<hbm>>
    tpu.enqueue_dma source(%dma_start3A_11 : memref<125x80xi32, #tpu.memory_space<hbm>>) target(%arg8 : memref<125x80xi32, #tpu.memory_space<vmem>>) target_semaphore(%arg13 : memref<!tpu.dma_semaphore, #tpu.memory_space<semaphore_mem>>)
    %mul3A_12 = arith.constant 640 : i32
    %mul3A_13 = arith.muli %arg1, %mul3A_12 : i32
    %dma_start3A_14 = arith.constant 0 : i32
    %dma_start3A_15 = tpu.memref_slice %arg5[%mul3A_13, %dma_start3A_14] : memref<10240x128xf32, #tpu.memory_space<hbm>> -> memref<80x128xf32, #tpu.memory_space<hbm>>
    %dma_start3A_16 = arith.constant 0 : i32
    %dma_start3A_17 = tpu.memref_slice %arg5[%mul3A_13, %dma_start3A_16] : memref<10240x128xf32, #tpu.memory_space<hbm>> -> memref<80x128xf32, #tpu.memory_space<hbm>>
    tpu.enqueue_dma source(%dma_start3A_17 : memref<80x128xf32, #tpu.memory_space<hbm>>) target(%arg9 : memref<80x128xf32, #tpu.memory_space<vmem>>) target_semaphore(%arg14 : memref<!tpu.dma_semaphore, #tpu.memory_space<semaphore_mem>>)
    %mul3A_18 = arith.constant 640 : i32
    %mul3A_19 = arith.muli %arg1, %mul3A_18 : i32
    %add3A_20 = arith.constant 0 : i32
    %add3A_21 = arith.addi %mul3A_19, %add3A_20 : i32
    %add3A_22 = arith.constant 80 : i32
    %add3A_23 = arith.addi %add3A_21, %add3A_22 : i32
    %dma_start3A_24 = arith.constant 0 : i32
    %dma_start3A_25 = tpu.memref_slice %arg5[%add3A_23, %dma_start3A_24] : memref<10240x128xf32, #tpu.memory_space<hbm>> -> memref<80x128xf32, #tpu.memory_space<hbm>>
    %dma_start3A_26 = arith.constant 0 : i32
    %dma_start3A_27 = tpu.memref_slice %arg5[%add3A_23, %dma_start3A_26] : memref<10240x128xf32, #tpu.memory_space<hbm>> -> memref<80x128xf32, #tpu.memory_space<hbm>>
    tpu.enqueue_dma source(%dma_start3A_27 : memref<80x128xf32, #tpu.memory_space<hbm>>) target(%arg10 : memref<80x128xf32, #tpu.memory_space<vmem>>) target_semaphore(%arg15 : memref<!tpu.dma_semaphore, #tpu.memory_space<semaphore_mem>>)
    %dma_wait3A = arith.constant 0 : i32
    %dma_wait3A_28 = tpu.memref_slice %arg5[%add3A_21, %dma_wait3A] : memref<10240x128xf32, #tpu.memory_space<hbm>> -> memref<80x128xf32, #tpu.memory_space<hbm>>
    %dma_wait3A_29 = arith.constant 0 : i32
    %dma_wait3A_30 = tpu.memref_slice %arg5[%add3A_21, %dma_wait3A_29] : memref<10240x128xf32, #tpu.memory_space<hbm>> -> memref<80x128xf32, #tpu.memory_space<hbm>>
    tpu.wait_dma2 semaphore(%arg14 : memref<!tpu.dma_semaphore, #tpu.memory_space<semaphore_mem>>) src(%dma_wait3A_30 : memref<80x128xf32, #tpu.memory_space<hbm>>) dst(%arg9 : memref<80x128xf32, #tpu.memory_space<vmem>>)
    "tpu.region"() ({
      %run_scoped3A_263 = tpu.sem_alloc : memref<!tpu.dma_semaphore, #tpu.memory_space<semaphore_mem>>
      %dma_start3A_264 = arith.constant 0 : i32
      %dma_start3A_265 = tpu.memref_slice %arg11[%add3A_21, %dma_start3A_264] : memref<10240x128xf32, #tpu.memory_space<vmem_shared>> -> memref<80x128xf32, #tpu.memory_space<vmem_shared>>
      %dma_start3A_266 = arith.constant 0 : i32
      %dma_start3A_267 = tpu.memref_slice %arg11[%add3A_21, %dma_start3A_266] : memref<10240x128xf32, #tpu.memory_space<vmem_shared>> -> memref<80x128xf32, #tpu.memory_space<vmem_shared>>
      tpu.enqueue_dma source(%arg9 : memref<80x128xf32, #tpu.memory_space<vmem>>) target(%dma_start3A_267 : memref<80x128xf32, #tpu.memory_space<vmem_shared>>) target_semaphore(%run_scoped3A_263 : memref<!tpu.dma_semaphore, #tpu.memory_space<semaphore_mem>>)
      %dma_wait3A_268 = arith.constant 0 : i32
      %dma_wait3A_269 = tpu.memref_slice %arg11[%add3A_21, %dma_wait3A_268] : memref<10240x128xf32, #tpu.memory_space<vmem_shared>> -> memref<80x128xf32, #tpu.memory_space<vmem_shared>>
      %dma_wait3A_270 = arith.constant 0 : i32
      %dma_wait3A_271 = tpu.memref_slice %arg11[%add3A_21, %dma_wait3A_270] : memref<10240x128xf32, #tpu.memory_space<vmem_shared>> -> memref<80x128xf32, #tpu.memory_space<vmem_shared>>
      tpu.wait_dma2 semaphore(%run_scoped3A_263 : memref<!tpu.dma_semaphore, #tpu.memory_space<semaphore_mem>>) src(%arg9 : memref<80x128xf32, #tpu.memory_space<vmem>>) dst(%dma_wait3A_271 : memref<80x128xf32, #tpu.memory_space<vmem_shared>>)
      tpu.yield
    }) : () -> ()
    %mul3A_31 = arith.constant 640 : i32
    %mul3A_32 = arith.muli %arg1, %mul3A_31 : i32
    %add3A_33 = arith.constant 80 : i32
    %add3A_34 = arith.addi %mul3A_32, %add3A_33 : i32
    %add3A_35 = arith.constant 80 : i32
    %add3A_36 = arith.addi %add3A_34, %add3A_35 : i32
    %dma_start3A_37 = arith.constant 0 : i32
    %dma_start3A_38 = tpu.memref_slice %arg5[%add3A_36, %dma_start3A_37] : memref<10240x128xf32, #tpu.memory_space<hbm>> -> memref<80x128xf32, #tpu.memory_space<hbm>>
    %dma_start3A_39 = arith.constant 0 : i32
    %dma_start3A_40 = tpu.memref_slice %arg5[%add3A_36, %dma_start3A_39] : memref<10240x128xf32, #tpu.memory_space<hbm>> -> memref<80x128xf32, #tpu.memory_space<hbm>>
    tpu.enqueue_dma source(%dma_start3A_40 : memref<80x128xf32, #tpu.memory_space<hbm>>) target(%arg9 : memref<80x128xf32, #tpu.memory_space<vmem>>) target_semaphore(%arg14 : memref<!tpu.dma_semaphore, #tpu.memory_space<semaphore_mem>>)
    %dma_wait3A_41 = arith.constant 0 : i32
    %dma_wait3A_42 = tpu.memref_slice %arg5[%add3A_34, %dma_wait3A_41] : memref<10240x128xf32, #tpu.memory_space<hbm>> -> memref<80x128xf32, #tpu.memory_space<hbm>>
    %dma_wait3A_43 = arith.constant 0 : i32
    %dma_wait3A_44 = tpu.memref_slice %arg5[%add3A_34, %dma_wait3A_43] : memref<10240x128xf32, #tpu.memory_space<hbm>> -> memref<80x128xf32, #tpu.memory_space<hbm>>
    tpu.wait_dma2 semaphore(%arg15 : memref<!tpu.dma_semaphore, #tpu.memory_space<semaphore_mem>>) src(%dma_wait3A_44 : memref<80x128xf32, #tpu.memory_space<hbm>>) dst(%arg10 : memref<80x128xf32, #tpu.memory_space<vmem>>)
    "tpu.region"() ({
      %run_scoped3A_263 = tpu.sem_alloc : memref<!tpu.dma_semaphore, #tpu.memory_space<semaphore_mem>>
      %dma_start3A_264 = arith.constant 0 : i32
      %dma_start3A_265 = tpu.memref_slice %arg11[%add3A_34, %dma_start3A_264] : memref<10240x128xf32, #tpu.memory_space<vmem_shared>> -> memref<80x128xf32, #tpu.memory_space<vmem_shared>>
      %dma_start3A_266 = arith.constant 0 : i32
      %dma_start3A_267 = tpu.memref_slice %arg11[%add3A_34, %dma_start3A_266] : memref<10240x128xf32, #tpu.memory_space<vmem_shared>> -> memref<80x128xf32, #tpu.memory_space<vmem_shared>>
      tpu.enqueue_dma source(%arg10 : memref<80x128xf32, #tpu.memory_space<vmem>>) target(%dma_start3A_267 : memref<80x128xf32, #tpu.memory_space<vmem_shared>>) target_semaphore(%run_scoped3A_263 : memref<!tpu.dma_semaphore, #tpu.memory_space<semaphore_mem>>)
      %dma_wait3A_268 = arith.constant 0 : i32
      %dma_wait3A_269 = tpu.memref_slice %arg11[%add3A_34, %dma_wait3A_268] : memref<10240x128xf32, #tpu.memory_space<vmem_shared>> -> memref<80x128xf32, #tpu.memory_space<vmem_shared>>
      %dma_wait3A_270 = arith.constant 0 : i32
      %dma_wait3A_271 = tpu.memref_slice %arg11[%add3A_34, %dma_wait3A_270] : memref<10240x128xf32, #tpu.memory_space<vmem_shared>> -> memref<80x128xf32, #tpu.memory_space<vmem_shared>>
      tpu.wait_dma2 semaphore(%run_scoped3A_263 : memref<!tpu.dma_semaphore, #tpu.memory_space<semaphore_mem>>) src(%arg10 : memref<80x128xf32, #tpu.memory_space<vmem>>) dst(%dma_wait3A_271 : memref<80x128xf32, #tpu.memory_space<vmem_shared>>)
      tpu.yield
    }) : () -> ()
    %mul3A_45 = arith.constant 640 : i32
    %mul3A_46 = arith.muli %arg1, %mul3A_45 : i32
    %add3A_47 = arith.constant 160 : i32
    %add3A_48 = arith.addi %mul3A_46, %add3A_47 : i32
    %add3A_49 = arith.constant 80 : i32
    %add3A_50 = arith.addi %add3A_48, %add3A_49 : i32
    %dma_start3A_51 = arith.constant 0 : i32
    %dma_start3A_52 = tpu.memref_slice %arg5[%add3A_50, %dma_start3A_51] : memref<10240x128xf32, #tpu.memory_space<hbm>> -> memref<80x128xf32, #tpu.memory_space<hbm>>
    %dma_start3A_53 = arith.constant 0 : i32
    %dma_start3A_54 = tpu.memref_slice %arg5[%add3A_50, %dma_start3A_53] : memref<10240x128xf32, #tpu.memory_space<hbm>> -> memref<80x128xf32, #tpu.memory_space<hbm>>
    tpu.enqueue_dma source(%dma_start3A_54 : memref<80x128xf32, #tpu.memory_space<hbm>>) target(%arg10 : memref<80x128xf32, #tpu.memory_space<vmem>>) target_semaphore(%arg15 : memref<!tpu.dma_semaphore, #tpu.memory_space<semaphore_mem>>)
    %dma_wait3A_55 = arith.constant 0 : i32
    %dma_wait3A_56 = tpu.memref_slice %arg5[%add3A_48, %dma_wait3A_55] : memref<10240x128xf32, #tpu.memory_space<hbm>> -> memref<80x128xf32, #tpu.memory_space<hbm>>
    %dma_wait3A_57 = arith.constant 0 : i32
    %dma_wait3A_58 = tpu.memref_slice %arg5[%add3A_48, %dma_wait3A_57] : memref<10240x128xf32, #tpu.memory_space<hbm>> -> memref<80x128xf32, #tpu.memory_space<hbm>>
    tpu.wait_dma2 semaphore(%arg14 : memref<!tpu.dma_semaphore, #tpu.memory_space<semaphore_mem>>) src(%dma_wait3A_58 : memref<80x128xf32, #tpu.memory_space<hbm>>) dst(%arg9 : memref<80x128xf32, #tpu.memory_space<vmem>>)
    "tpu.region"() ({
      %run_scoped3A_263 = tpu.sem_alloc : memref<!tpu.dma_semaphore, #tpu.memory_space<semaphore_mem>>
      %dma_start3A_264 = arith.constant 0 : i32
      %dma_start3A_265 = tpu.memref_slice %arg11[%add3A_48, %dma_start3A_264] : memref<10240x128xf32, #tpu.memory_space<vmem_shared>> -> memref<80x128xf32, #tpu.memory_space<vmem_shared>>
      %dma_start3A_266 = arith.constant 0 : i32
      %dma_start3A_267 = tpu.memref_slice %arg11[%add3A_48, %dma_start3A_266] : memref<10240x128xf32, #tpu.memory_space<vmem_shared>> -> memref<80x128xf32, #tpu.memory_space<vmem_shared>>
      tpu.enqueue_dma source(%arg9 : memref<80x128xf32, #tpu.memory_space<vmem>>) target(%dma_start3A_267 : memref<80x128xf32, #tpu.memory_space<vmem_shared>>) target_semaphore(%run_scoped3A_263 : memref<!tpu.dma_semaphore, #tpu.memory_space<semaphore_mem>>)
      %dma_wait3A_268 = arith.constant 0 : i32
      %dma_wait3A_269 = tpu.memref_slice %arg11[%add3A_48, %dma_wait3A_268] : memref<10240x128xf32, #tpu.memory_space<vmem_shared>> -> memref<80x128xf32, #tpu.memory_space<vmem_shared>>
      %dma_wait3A_270 = arith.constant 0 : i32
      %dma_wait3A_271 = tpu.memref_slice %arg11[%add3A_48, %dma_wait3A_270] : memref<10240x128xf32, #tpu.memory_space<vmem_shared>> -> memref<80x128xf32, #tpu.memory_space<vmem_shared>>
      tpu.wait_dma2 semaphore(%run_scoped3A_263 : memref<!tpu.dma_semaphore, #tpu.memory_space<semaphore_mem>>) src(%arg9 : memref<80x128xf32, #tpu.memory_space<vmem>>) dst(%dma_wait3A_271 : memref<80x128xf32, #tpu.memory_space<vmem_shared>>)
      tpu.yield
    }) : () -> ()
    %mul3A_59 = arith.constant 640 : i32
    %mul3A_60 = arith.muli %arg1, %mul3A_59 : i32
    %add3A_61 = arith.constant 240 : i32
    %add3A_62 = arith.addi %mul3A_60, %add3A_61 : i32
    %add3A_63 = arith.constant 80 : i32
    %add3A_64 = arith.addi %add3A_62, %add3A_63 : i32
    %dma_start3A_65 = arith.constant 0 : i32
    %dma_start3A_66 = tpu.memref_slice %arg5[%add3A_64, %dma_start3A_65] : memref<10240x128xf32, #tpu.memory_space<hbm>> -> memref<80x128xf32, #tpu.memory_space<hbm>>
    %dma_start3A_67 = arith.constant 0 : i32
    %dma_start3A_68 = tpu.memref_slice %arg5[%add3A_64, %dma_start3A_67] : memref<10240x128xf32, #tpu.memory_space<hbm>> -> memref<80x128xf32, #tpu.memory_space<hbm>>
    tpu.enqueue_dma source(%dma_start3A_68 : memref<80x128xf32, #tpu.memory_space<hbm>>) target(%arg9 : memref<80x128xf32, #tpu.memory_space<vmem>>) target_semaphore(%arg14 : memref<!tpu.dma_semaphore, #tpu.memory_space<semaphore_mem>>)
    %dma_wait3A_69 = arith.constant 0 : i32
    %dma_wait3A_70 = tpu.memref_slice %arg5[%add3A_62, %dma_wait3A_69] : memref<10240x128xf32, #tpu.memory_space<hbm>> -> memref<80x128xf32, #tpu.memory_space<hbm>>
    %dma_wait3A_71 = arith.constant 0 : i32
    %dma_wait3A_72 = tpu.memref_slice %arg5[%add3A_62, %dma_wait3A_71] : memref<10240x128xf32, #tpu.memory_space<hbm>> -> memref<80x128xf32, #tpu.memory_space<hbm>>
    tpu.wait_dma2 semaphore(%arg15 : memref<!tpu.dma_semaphore, #tpu.memory_space<semaphore_mem>>) src(%dma_wait3A_72 : memref<80x128xf32, #tpu.memory_space<hbm>>) dst(%arg10 : memref<80x128xf32, #tpu.memory_space<vmem>>)
    "tpu.region"() ({
      %run_scoped3A_263 = tpu.sem_alloc : memref<!tpu.dma_semaphore, #tpu.memory_space<semaphore_mem>>
      %dma_start3A_264 = arith.constant 0 : i32
      %dma_start3A_265 = tpu.memref_slice %arg11[%add3A_62, %dma_start3A_264] : memref<10240x128xf32, #tpu.memory_space<vmem_shared>> -> memref<80x128xf32, #tpu.memory_space<vmem_shared>>
      %dma_start3A_266 = arith.constant 0 : i32
      %dma_start3A_267 = tpu.memref_slice %arg11[%add3A_62, %dma_start3A_266] : memref<10240x128xf32, #tpu.memory_space<vmem_shared>> -> memref<80x128xf32, #tpu.memory_space<vmem_shared>>
      tpu.enqueue_dma source(%arg10 : memref<80x128xf32, #tpu.memory_space<vmem>>) target(%dma_start3A_267 : memref<80x128xf32, #tpu.memory_space<vmem_shared>>) target_semaphore(%run_scoped3A_263 : memref<!tpu.dma_semaphore, #tpu.memory_space<semaphore_mem>>)
      %dma_wait3A_268 = arith.constant 0 : i32
      %dma_wait3A_269 = tpu.memref_slice %arg11[%add3A_62, %dma_wait3A_268] : memref<10240x128xf32, #tpu.memory_space<vmem_shared>> -> memref<80x128xf32, #tpu.memory_space<vmem_shared>>
      %dma_wait3A_270 = arith.constant 0 : i32
      %dma_wait3A_271 = tpu.memref_slice %arg11[%add3A_62, %dma_wait3A_270] : memref<10240x128xf32, #tpu.memory_space<vmem_shared>> -> memref<80x128xf32, #tpu.memory_space<vmem_shared>>
      tpu.wait_dma2 semaphore(%run_scoped3A_263 : memref<!tpu.dma_semaphore, #tpu.memory_space<semaphore_mem>>) src(%arg10 : memref<80x128xf32, #tpu.memory_space<vmem>>) dst(%dma_wait3A_271 : memref<80x128xf32, #tpu.memory_space<vmem_shared>>)
      tpu.yield
    }) : () -> ()
    %mul3A_73 = arith.constant 640 : i32
    %mul3A_74 = arith.muli %arg1, %mul3A_73 : i32
    %add3A_75 = arith.constant 320 : i32
    %add3A_76 = arith.addi %mul3A_74, %add3A_75 : i32
    %add3A_77 = arith.constant 80 : i32
    %add3A_78 = arith.addi %add3A_76, %add3A_77 : i32
    %dma_start3A_79 = arith.constant 0 : i32
    %dma_start3A_80 = tpu.memref_slice %arg5[%add3A_78, %dma_start3A_79] : memref<10240x128xf32, #tpu.memory_space<hbm>> -> memref<80x128xf32, #tpu.memory_space<hbm>>
    %dma_start3A_81 = arith.constant 0 : i32
    %dma_start3A_82 = tpu.memref_slice %arg5[%add3A_78, %dma_start3A_81] : memref<10240x128xf32, #tpu.memory_space<hbm>> -> memref<80x128xf32, #tpu.memory_space<hbm>>
    tpu.enqueue_dma source(%dma_start3A_82 : memref<80x128xf32, #tpu.memory_space<hbm>>) target(%arg10 : memref<80x128xf32, #tpu.memory_space<vmem>>) target_semaphore(%arg15 : memref<!tpu.dma_semaphore, #tpu.memory_space<semaphore_mem>>)
    %dma_wait3A_83 = arith.constant 0 : i32
    %dma_wait3A_84 = tpu.memref_slice %arg5[%add3A_76, %dma_wait3A_83] : memref<10240x128xf32, #tpu.memory_space<hbm>> -> memref<80x128xf32, #tpu.memory_space<hbm>>
    %dma_wait3A_85 = arith.constant 0 : i32
    %dma_wait3A_86 = tpu.memref_slice %arg5[%add3A_76, %dma_wait3A_85] : memref<10240x128xf32, #tpu.memory_space<hbm>> -> memref<80x128xf32, #tpu.memory_space<hbm>>
    tpu.wait_dma2 semaphore(%arg14 : memref<!tpu.dma_semaphore, #tpu.memory_space<semaphore_mem>>) src(%dma_wait3A_86 : memref<80x128xf32, #tpu.memory_space<hbm>>) dst(%arg9 : memref<80x128xf32, #tpu.memory_space<vmem>>)
    "tpu.region"() ({
      %run_scoped3A_263 = tpu.sem_alloc : memref<!tpu.dma_semaphore, #tpu.memory_space<semaphore_mem>>
      %dma_start3A_264 = arith.constant 0 : i32
      %dma_start3A_265 = tpu.memref_slice %arg11[%add3A_76, %dma_start3A_264] : memref<10240x128xf32, #tpu.memory_space<vmem_shared>> -> memref<80x128xf32, #tpu.memory_space<vmem_shared>>
      %dma_start3A_266 = arith.constant 0 : i32
      %dma_start3A_267 = tpu.memref_slice %arg11[%add3A_76, %dma_start3A_266] : memref<10240x128xf32, #tpu.memory_space<vmem_shared>> -> memref<80x128xf32, #tpu.memory_space<vmem_shared>>
      tpu.enqueue_dma source(%arg9 : memref<80x128xf32, #tpu.memory_space<vmem>>) target(%dma_start3A_267 : memref<80x128xf32, #tpu.memory_space<vmem_shared>>) target_semaphore(%run_scoped3A_263 : memref<!tpu.dma_semaphore, #tpu.memory_space<semaphore_mem>>)
      %dma_wait3A_268 = arith.constant 0 : i32
      %dma_wait3A_269 = tpu.memref_slice %arg11[%add3A_76, %dma_wait3A_268] : memref<10240x128xf32, #tpu.memory_space<vmem_shared>> -> memref<80x128xf32, #tpu.memory_space<vmem_shared>>
      %dma_wait3A_270 = arith.constant 0 : i32
      %dma_wait3A_271 = tpu.memref_slice %arg11[%add3A_76, %dma_wait3A_270] : memref<10240x128xf32, #tpu.memory_space<vmem_shared>> -> memref<80x128xf32, #tpu.memory_space<vmem_shared>>
      tpu.wait_dma2 semaphore(%run_scoped3A_263 : memref<!tpu.dma_semaphore, #tpu.memory_space<semaphore_mem>>) src(%arg9 : memref<80x128xf32, #tpu.memory_space<vmem>>) dst(%dma_wait3A_271 : memref<80x128xf32, #tpu.memory_space<vmem_shared>>)
      tpu.yield
    }) : () -> ()
    %mul3A_87 = arith.constant 640 : i32
    %mul3A_88 = arith.muli %arg1, %mul3A_87 : i32
    %add3A_89 = arith.constant 400 : i32
    %add3A_90 = arith.addi %mul3A_88, %add3A_89 : i32
    %add3A_91 = arith.constant 80 : i32
    %add3A_92 = arith.addi %add3A_90, %add3A_91 : i32
    %dma_start3A_93 = arith.constant 0 : i32
    %dma_start3A_94 = tpu.memref_slice %arg5[%add3A_92, %dma_start3A_93] : memref<10240x128xf32, #tpu.memory_space<hbm>> -> memref<80x128xf32, #tpu.memory_space<hbm>>
    %dma_start3A_95 = arith.constant 0 : i32
    %dma_start3A_96 = tpu.memref_slice %arg5[%add3A_92, %dma_start3A_95] : memref<10240x128xf32, #tpu.memory_space<hbm>> -> memref<80x128xf32, #tpu.memory_space<hbm>>
    tpu.enqueue_dma source(%dma_start3A_96 : memref<80x128xf32, #tpu.memory_space<hbm>>) target(%arg9 : memref<80x128xf32, #tpu.memory_space<vmem>>) target_semaphore(%arg14 : memref<!tpu.dma_semaphore, #tpu.memory_space<semaphore_mem>>)
    %dma_wait3A_97 = arith.constant 0 : i32
    %dma_wait3A_98 = tpu.memref_slice %arg5[%add3A_90, %dma_wait3A_97] : memref<10240x128xf32, #tpu.memory_space<hbm>> -> memref<80x128xf32, #tpu.memory_space<hbm>>
    %dma_wait3A_99 = arith.constant 0 : i32
    %dma_wait3A_100 = tpu.memref_slice %arg5[%add3A_90, %dma_wait3A_99] : memref<10240x128xf32, #tpu.memory_space<hbm>> -> memref<80x128xf32, #tpu.memory_space<hbm>>
    tpu.wait_dma2 semaphore(%arg15 : memref<!tpu.dma_semaphore, #tpu.memory_space<semaphore_mem>>) src(%dma_wait3A_100 : memref<80x128xf32, #tpu.memory_space<hbm>>) dst(%arg10 : memref<80x128xf32, #tpu.memory_space<vmem>>)
    "tpu.region"() ({
      %run_scoped3A_263 = tpu.sem_alloc : memref<!tpu.dma_semaphore, #tpu.memory_space<semaphore_mem>>
      %dma_start3A_264 = arith.constant 0 : i32
      %dma_start3A_265 = tpu.memref_slice %arg11[%add3A_90, %dma_start3A_264] : memref<10240x128xf32, #tpu.memory_space<vmem_shared>> -> memref<80x128xf32, #tpu.memory_space<vmem_shared>>
      %dma_start3A_266 = arith.constant 0 : i32
      %dma_start3A_267 = tpu.memref_slice %arg11[%add3A_90, %dma_start3A_266] : memref<10240x128xf32, #tpu.memory_space<vmem_shared>> -> memref<80x128xf32, #tpu.memory_space<vmem_shared>>
      tpu.enqueue_dma source(%arg10 : memref<80x128xf32, #tpu.memory_space<vmem>>) target(%dma_start3A_267 : memref<80x128xf32, #tpu.memory_space<vmem_shared>>) target_semaphore(%run_scoped3A_263 : memref<!tpu.dma_semaphore, #tpu.memory_space<semaphore_mem>>)
      %dma_wait3A_268 = arith.constant 0 : i32
      %dma_wait3A_269 = tpu.memref_slice %arg11[%add3A_90, %dma_wait3A_268] : memref<10240x128xf32, #tpu.memory_space<vmem_shared>> -> memref<80x128xf32, #tpu.memory_space<vmem_shared>>
      %dma_wait3A_270 = arith.constant 0 : i32
      %dma_wait3A_271 = tpu.memref_slice %arg11[%add3A_90, %dma_wait3A_270] : memref<10240x128xf32, #tpu.memory_space<vmem_shared>> -> memref<80x128xf32, #tpu.memory_space<vmem_shared>>
      tpu.wait_dma2 semaphore(%run_scoped3A_263 : memref<!tpu.dma_semaphore, #tpu.memory_space<semaphore_mem>>) src(%arg10 : memref<80x128xf32, #tpu.memory_space<vmem>>) dst(%dma_wait3A_271 : memref<80x128xf32, #tpu.memory_space<vmem_shared>>)
      tpu.yield
    }) : () -> ()
    %mul3A_101 = arith.constant 640 : i32
    %mul3A_102 = arith.muli %arg1, %mul3A_101 : i32
    %add3A_103 = arith.constant 480 : i32
    %add3A_104 = arith.addi %mul3A_102, %add3A_103 : i32
    %add3A_105 = arith.constant 80 : i32
    %add3A_106 = arith.addi %add3A_104, %add3A_105 : i32
    %dma_start3A_107 = arith.constant 0 : i32
    %dma_start3A_108 = tpu.memref_slice %arg5[%add3A_106, %dma_start3A_107] : memref<10240x128xf32, #tpu.memory_space<hbm>> -> memref<80x128xf32, #tpu.memory_space<hbm>>
    %dma_start3A_109 = arith.constant 0 : i32
    %dma_start3A_110 = tpu.memref_slice %arg5[%add3A_106, %dma_start3A_109] : memref<10240x128xf32, #tpu.memory_space<hbm>> -> memref<80x128xf32, #tpu.memory_space<hbm>>
    tpu.enqueue_dma source(%dma_start3A_110 : memref<80x128xf32, #tpu.memory_space<hbm>>) target(%arg10 : memref<80x128xf32, #tpu.memory_space<vmem>>) target_semaphore(%arg15 : memref<!tpu.dma_semaphore, #tpu.memory_space<semaphore_mem>>)
    %dma_wait3A_111 = arith.constant 0 : i32
    %dma_wait3A_112 = tpu.memref_slice %arg5[%add3A_104, %dma_wait3A_111] : memref<10240x128xf32, #tpu.memory_space<hbm>> -> memref<80x128xf32, #tpu.memory_space<hbm>>
    %dma_wait3A_113 = arith.constant 0 : i32
    %dma_wait3A_114 = tpu.memref_slice %arg5[%add3A_104, %dma_wait3A_113] : memref<10240x128xf32, #tpu.memory_space<hbm>> -> memref<80x128xf32, #tpu.memory_space<hbm>>
    tpu.wait_dma2 semaphore(%arg14 : memref<!tpu.dma_semaphore, #tpu.memory_space<semaphore_mem>>) src(%dma_wait3A_114 : memref<80x128xf32, #tpu.memory_space<hbm>>) dst(%arg9 : memref<80x128xf32, #tpu.memory_space<vmem>>)
    "tpu.region"() ({
      %run_scoped3A_263 = tpu.sem_alloc : memref<!tpu.dma_semaphore, #tpu.memory_space<semaphore_mem>>
      %dma_start3A_264 = arith.constant 0 : i32
      %dma_start3A_265 = tpu.memref_slice %arg11[%add3A_104, %dma_start3A_264] : memref<10240x128xf32, #tpu.memory_space<vmem_shared>> -> memref<80x128xf32, #tpu.memory_space<vmem_shared>>
      %dma_start3A_266 = arith.constant 0 : i32
      %dma_start3A_267 = tpu.memref_slice %arg11[%add3A_104, %dma_start3A_266] : memref<10240x128xf32, #tpu.memory_space<vmem_shared>> -> memref<80x128xf32, #tpu.memory_space<vmem_shared>>
      tpu.enqueue_dma source(%arg9 : memref<80x128xf32, #tpu.memory_space<vmem>>) target(%dma_start3A_267 : memref<80x128xf32, #tpu.memory_space<vmem_shared>>) target_semaphore(%run_scoped3A_263 : memref<!tpu.dma_semaphore, #tpu.memory_space<semaphore_mem>>)
      %dma_wait3A_268 = arith.constant 0 : i32
      %dma_wait3A_269 = tpu.memref_slice %arg11[%add3A_104, %dma_wait3A_268] : memref<10240x128xf32, #tpu.memory_space<vmem_shared>> -> memref<80x128xf32, #tpu.memory_space<vmem_shared>>
      %dma_wait3A_270 = arith.constant 0 : i32
      %dma_wait3A_271 = tpu.memref_slice %arg11[%add3A_104, %dma_wait3A_270] : memref<10240x128xf32, #tpu.memory_space<vmem_shared>> -> memref<80x128xf32, #tpu.memory_space<vmem_shared>>
      tpu.wait_dma2 semaphore(%run_scoped3A_263 : memref<!tpu.dma_semaphore, #tpu.memory_space<semaphore_mem>>) src(%arg9 : memref<80x128xf32, #tpu.memory_space<vmem>>) dst(%dma_wait3A_271 : memref<80x128xf32, #tpu.memory_space<vmem_shared>>)
      tpu.yield
    }) : () -> ()
    %mul3A_115 = arith.constant 640 : i32
    %mul3A_116 = arith.muli %arg1, %mul3A_115 : i32
    %add3A_117 = arith.constant 560 : i32
    %add3A_118 = arith.addi %mul3A_116, %add3A_117 : i32
    %dma_wait3A_119 = arith.constant 0 : i32
    %dma_wait3A_120 = tpu.memref_slice %arg5[%add3A_118, %dma_wait3A_119] : memref<10240x128xf32, #tpu.memory_space<hbm>> -> memref<80x128xf32, #tpu.memory_space<hbm>>
    %dma_wait3A_121 = arith.constant 0 : i32
    %dma_wait3A_122 = tpu.memref_slice %arg5[%add3A_118, %dma_wait3A_121] : memref<10240x128xf32, #tpu.memory_space<hbm>> -> memref<80x128xf32, #tpu.memory_space<hbm>>
    tpu.wait_dma2 semaphore(%arg15 : memref<!tpu.dma_semaphore, #tpu.memory_space<semaphore_mem>>) src(%dma_wait3A_122 : memref<80x128xf32, #tpu.memory_space<hbm>>) dst(%arg10 : memref<80x128xf32, #tpu.memory_space<vmem>>)
    "tpu.region"() ({
      %run_scoped3A_263 = tpu.sem_alloc : memref<!tpu.dma_semaphore, #tpu.memory_space<semaphore_mem>>
      %dma_start3A_264 = arith.constant 0 : i32
      %dma_start3A_265 = tpu.memref_slice %arg11[%add3A_118, %dma_start3A_264] : memref<10240x128xf32, #tpu.memory_space<vmem_shared>> -> memref<80x128xf32, #tpu.memory_space<vmem_shared>>
      %dma_start3A_266 = arith.constant 0 : i32
      %dma_start3A_267 = tpu.memref_slice %arg11[%add3A_118, %dma_start3A_266] : memref<10240x128xf32, #tpu.memory_space<vmem_shared>> -> memref<80x128xf32, #tpu.memory_space<vmem_shared>>
      tpu.enqueue_dma source(%arg10 : memref<80x128xf32, #tpu.memory_space<vmem>>) target(%dma_start3A_267 : memref<80x128xf32, #tpu.memory_space<vmem_shared>>) target_semaphore(%run_scoped3A_263 : memref<!tpu.dma_semaphore, #tpu.memory_space<semaphore_mem>>)
      %dma_wait3A_268 = arith.constant 0 : i32
      %dma_wait3A_269 = tpu.memref_slice %arg11[%add3A_118, %dma_wait3A_268] : memref<10240x128xf32, #tpu.memory_space<vmem_shared>> -> memref<80x128xf32, #tpu.memory_space<vmem_shared>>
      %dma_wait3A_270 = arith.constant 0 : i32
      %dma_wait3A_271 = tpu.memref_slice %arg11[%add3A_118, %dma_wait3A_270] : memref<10240x128xf32, #tpu.memory_space<vmem_shared>> -> memref<80x128xf32, #tpu.memory_space<vmem_shared>>
      tpu.wait_dma2 semaphore(%run_scoped3A_263 : memref<!tpu.dma_semaphore, #tpu.memory_space<semaphore_mem>>) src(%arg10 : memref<80x128xf32, #tpu.memory_space<vmem>>) dst(%dma_wait3A_271 : memref<80x128xf32, #tpu.memory_space<vmem_shared>>)
      tpu.yield
    }) : () -> ()
    %mul3A_123 = arith.constant 10000 : i32
    %mul3A_124 = arith.muli %add3A, %mul3A_123 : i32
    %dma_wait3A_125 = tpu.memref_slice %arg3[%mul3A_124] : memref<320000xi32, #tpu.memory_space<hbm>> -> memref<10000xi32, #tpu.memory_space<hbm>>
    %dma_wait3A_126 = tpu.memref_slice %arg3[%mul3A_124] : memref<320000xi32, #tpu.memory_space<hbm>> -> memref<10000xi32, #tpu.memory_space<hbm>>
    tpu.wait_dma2 semaphore(%arg12 : memref<!tpu.dma_semaphore, #tpu.memory_space<semaphore_mem>>) src(%dma_wait3A_126 : memref<10000xi32, #tpu.memory_space<hbm>>) dst(%arg7 : memref<10000xi32, #tpu.memory_space<vmem>>)
    %dma_wait3A_127 = arith.constant 0 : i32
    %dma_wait3A_128 = arith.constant 0 : i32
    %dma_wait3A_129 = tpu.memref_slice %arg4[%add3A, %dma_wait3A_127, %dma_wait3A_128] : memref<32x125x80xi32, #tpu.memory_space<hbm>> -> memref<1x125x80xi32, #tpu.memory_space<hbm>>
    %dma_wait3A_130 = tpu.memref_squeeze %dma_wait3A_129 : memref<1x125x80xi32, #tpu.memory_space<hbm>> -> memref<125x80xi32, #tpu.memory_space<hbm>>
    %dma_wait3A_131 = arith.constant 0 : i32
    %dma_wait3A_132 = arith.constant 0 : i32
    %dma_wait3A_133 = tpu.memref_slice %arg4[%add3A, %dma_wait3A_131, %dma_wait3A_132] : memref<32x125x80xi32, #tpu.memory_space<hbm>> -> memref<1x125x80xi32, #tpu.memory_space<hbm>>
    %dma_wait3A_134 = tpu.memref_squeeze %dma_wait3A_133 : memref<1x125x80xi32, #tpu.memory_space<hbm>> -> memref<125x80xi32, #tpu.memory_space<hbm>>
    tpu.wait_dma2 semaphore(%arg13 : memref<!tpu.dma_semaphore, #tpu.memory_space<semaphore_mem>>) src(%dma_wait3A_134 : memref<125x80xi32, #tpu.memory_space<hbm>>) dst(%arg8 : memref<125x80xi32, #tpu.memory_space<vmem>>)
    %barrier3A = arith.constant 0 : index
    tpu.barrier barrier_id(%barrier3A)
    %dma_start3A_135 = arith.constant 0 : i32
    %dma_start3A_136 = tpu.memref_slice %arg7[%dma_start3A_135] : memref<10000xi32, #tpu.memory_space<vmem>> -> memref<80xi32, #tpu.memory_space<vmem>>
    %dma_start3A_137 = arith.constant 0 : i32
    %dma_start3A_138 = arith.constant 0 : i32
    %dma_start3A_139 = tpu.memref_slice %arg2[%dma_start3A_137, %dma_start3A_138] : memref<10000x128xf32, #tpu.memory_space<hbm>> -> memref<10000x128xf32, #tpu.memory_space<hbm>>
    tpu.enqueue_indirect_dma source(%dma_start3A_139 : memref<10000x128xf32, #tpu.memory_space<hbm>>) target(%arg9 : memref<80x128xf32, #tpu.memory_space<vmem>>) offsets(%dma_start3A_136 : memref<80xi32, #tpu.memory_space<vmem>>) semaphore(%arg12 : memref<!tpu.dma_semaphore, #tpu.memory_space<semaphore_mem>>)
    %scan3A = arith.constant 0 : i32
    %scan3A_140 = arith.constant 0 : i32
    %scan3A_141 = arith.constant 62 : i32
    %scan3A_142 = arith.addi %scan3A_140, %scan3A_141 : i32
    %scan3A_143 = arith.constant 1 : i32
    scf.for %scan3A_263 = %scan3A_140 to %scan3A_142 step %scan3A_143  : i32 {
      %mul3A_264 = arith.constant 2 : i32
      %mul3A_265 = arith.muli %mul3A_264, %scan3A_263 : i32
      %add3A_266 = arith.constant 1 : i32
      %add3A_267 = arith.addi %mul3A_265, %add3A_266 : i32
      %mul3A_268 = arith.constant 80 : i32
      %mul3A_269 = arith.muli %add3A_267, %mul3A_268 : i32
      %dma_start3A_270 = tpu.memref_slice %arg7[%mul3A_269] : memref<10000xi32, #tpu.memory_space<vmem>> -> memref<80xi32, #tpu.memory_space<vmem>>
      %dma_start3A_271 = arith.constant 0 : i32
      %dma_start3A_272 = arith.constant 0 : i32
      %dma_start3A_273 = tpu.memref_slice %arg2[%dma_start3A_271, %dma_start3A_272] : memref<10000x128xf32, #tpu.memory_space<hbm>> -> memref<10000x128xf32, #tpu.memory_space<hbm>>
      tpu.enqueue_indirect_dma source(%dma_start3A_273 : memref<10000x128xf32, #tpu.memory_space<hbm>>) target(%arg10 : memref<80x128xf32, #tpu.memory_space<vmem>>) offsets(%dma_start3A_270 : memref<80xi32, #tpu.memory_space<vmem>>) semaphore(%arg13 : memref<!tpu.dma_semaphore, #tpu.memory_space<semaphore_mem>>)
      %mul3A_274 = arith.constant 80 : i32
      %mul3A_275 = arith.muli %mul3A_265, %mul3A_274 : i32
      %dma_wait3A_276 = tpu.memref_slice %arg7[%mul3A_275] : memref<10000xi32, #tpu.memory_space<vmem>> -> memref<80xi32, #tpu.memory_space<vmem>>
      %dma_wait3A_277 = arith.constant 0 : i32
      %dma_wait3A_278 = arith.constant 0 : i32
      %dma_wait3A_279 = tpu.memref_slice %arg2[%dma_wait3A_277, %dma_wait3A_278] : memref<10000x128xf32, #tpu.memory_space<hbm>> -> memref<10000x128xf32, #tpu.memory_space<hbm>>
      tpu.wait_indirect_dma semaphore(%arg12 : memref<!tpu.dma_semaphore, #tpu.memory_space<semaphore_mem>>) src(%dma_wait3A_279 : memref<10000x128xf32, #tpu.memory_space<hbm>>) dst(%arg9 : memref<80x128xf32, #tpu.memory_space<vmem>>)
      "tpu.region"() ({
        %run_scoped3A_294 = tpu.sem_alloc : memref<!tpu.dma_semaphore, #tpu.memory_space<semaphore_mem>>
        %dma_start3A_295 = arith.constant 0 : i32
        %dma_start3A_296 = tpu.memref_slice %arg8[%mul3A_265, %dma_start3A_295] : memref<125x80xi32, #tpu.memory_space<vmem>> -> memref<1x80xi32, #tpu.memory_space<vmem>>
        %dma_start3A_297 = tpu.memref_squeeze %dma_start3A_296 : memref<1x80xi32, #tpu.memory_space<vmem>> -> memref<80xi32, #tpu.memory_space<vmem>>
        %dma_start3A_298 = arith.constant 0 : i32
        %dma_start3A_299 = arith.constant 0 : i32
        %dma_start3A_300 = tpu.memref_slice %arg11[%dma_start3A_298, %dma_start3A_299] : memref<10240x128xf32, #tpu.memory_space<vmem_shared>> -> memref<10240x128xf32, #tpu.memory_space<vmem_shared>>
        tpu.enqueue_indirect_dma source(%arg9 : memref<80x128xf32, #tpu.memory_space<vmem>>) target(%dma_start3A_300 : memref<10240x128xf32, #tpu.memory_space<vmem_shared>>) offsets(%dma_start3A_297 : memref<80xi32, #tpu.memory_space<vmem>>) semaphore(%run_scoped3A_294 : memref<!tpu.dma_semaphore, #tpu.memory_space<semaphore_mem>>) {add = true}
        %dma_wait3A_301 = arith.constant 0 : i32
        %dma_wait3A_302 = tpu.memref_slice %arg8[%mul3A_265, %dma_wait3A_301] : memref<125x80xi32, #tpu.memory_space<vmem>> -> memref<1x80xi32, #tpu.memory_space<vmem>>
        %dma_wait3A_303 = tpu.memref_squeeze %dma_wait3A_302 : memref<1x80xi32, #tpu.memory_space<vmem>> -> memref<80xi32, #tpu.memory_space<vmem>>
        %dma_wait3A_304 = arith.constant 0 : i32
        %dma_wait3A_305 = arith.constant 0 : i32
        %dma_wait3A_306 = tpu.memref_slice %arg11[%dma_wait3A_304, %dma_wait3A_305] : memref<10240x128xf32, #tpu.memory_space<vmem_shared>> -> memref<10240x128xf32, #tpu.memory_space<vmem_shared>>
        tpu.wait_indirect_dma semaphore(%run_scoped3A_294 : memref<!tpu.dma_semaphore, #tpu.memory_space<semaphore_mem>>) src(%arg9 : memref<80x128xf32, #tpu.memory_space<vmem>>) dst(%dma_wait3A_306 : memref<10240x128xf32, #tpu.memory_space<vmem_shared>>)
        tpu.yield
      }) : () -> ()
      %add3A_280 = arith.constant 2 : i32
      %add3A_281 = arith.addi %mul3A_265, %add3A_280 : i32
      %mul3A_282 = arith.constant 80 : i32
      %mul3A_283 = arith.muli %add3A_281, %mul3A_282 : i32
      %dma_start3A_284 = tpu.memref_slice %arg7[%mul3A_283] : memref<10000xi32, #tpu.memory_space<vmem>> -> memref<80xi32, #tpu.memory_space<vmem>>
      %dma_start3A_285 = arith.constant 0 : i32
      %dma_start3A_286 = arith.constant 0 : i32
      %dma_start3A_287 = tpu.memref_slice %arg2[%dma_start3A_285, %dma_start3A_286] : memref<10000x128xf32, #tpu.memory_space<hbm>> -> memref<10000x128xf32, #tpu.memory_space<hbm>>
      tpu.enqueue_indirect_dma source(%dma_start3A_287 : memref<10000x128xf32, #tpu.memory_space<hbm>>) target(%arg9 : memref<80x128xf32, #tpu.memory_space<vmem>>) offsets(%dma_start3A_284 : memref<80xi32, #tpu.memory_space<vmem>>) semaphore(%arg12 : memref<!tpu.dma_semaphore, #tpu.memory_space<semaphore_mem>>)
      %mul3A_288 = arith.constant 80 : i32
      %mul3A_289 = arith.muli %add3A_267, %mul3A_288 : i32
      %dma_wait3A_290 = tpu.memref_slice %arg7[%mul3A_289] : memref<10000xi32, #tpu.memory_space<vmem>> -> memref<80xi32, #tpu.memory_space<vmem>>
      %dma_wait3A_291 = arith.constant 0 : i32
      %dma_wait3A_292 = arith.constant 0 : i32
      %dma_wait3A_293 = tpu.memref_slice %arg2[%dma_wait3A_291, %dma_wait3A_292] : memref<10000x128xf32, #tpu.memory_space<hbm>> -> memref<10000x128xf32, #tpu.memory_space<hbm>>
      tpu.wait_indirect_dma semaphore(%arg13 : memref<!tpu.dma_semaphore, #tpu.memory_space<semaphore_mem>>) src(%dma_wait3A_293 : memref<10000x128xf32, #tpu.memory_space<hbm>>) dst(%arg10 : memref<80x128xf32, #tpu.memory_space<vmem>>)
      "tpu.region"() ({
        %run_scoped3A_294 = tpu.sem_alloc : memref<!tpu.dma_semaphore, #tpu.memory_space<semaphore_mem>>
        %dma_start3A_295 = arith.constant 0 : i32
        %dma_start3A_296 = tpu.memref_slice %arg8[%add3A_267, %dma_start3A_295] : memref<125x80xi32, #tpu.memory_space<vmem>> -> memref<1x80xi32, #tpu.memory_space<vmem>>
        %dma_start3A_297 = tpu.memref_squeeze %dma_start3A_296 : memref<1x80xi32, #tpu.memory_space<vmem>> -> memref<80xi32, #tpu.memory_space<vmem>>
        %dma_start3A_298 = arith.constant 0 : i32
        %dma_start3A_299 = arith.constant 0 : i32
        %dma_start3A_300 = tpu.memref_slice %arg11[%dma_start3A_298, %dma_start3A_299] : memref<10240x128xf32, #tpu.memory_space<vmem_shared>> -> memref<10240x128xf32, #tpu.memory_space<vmem_shared>>
        tpu.enqueue_indirect_dma source(%arg10 : memref<80x128xf32, #tpu.memory_space<vmem>>) target(%dma_start3A_300 : memref<10240x128xf32, #tpu.memory_space<vmem_shared>>) offsets(%dma_start3A_297 : memref<80xi32, #tpu.memory_space<vmem>>) semaphore(%run_scoped3A_294 : memref<!tpu.dma_semaphore, #tpu.memory_space<semaphore_mem>>) {add = true}
        %dma_wait3A_301 = arith.constant 0 : i32
        %dma_wait3A_302 = tpu.memref_slice %arg8[%add3A_267, %dma_wait3A_301] : memref<125x80xi32, #tpu.memory_space<vmem>> -> memref<1x80xi32, #tpu.memory_space<vmem>>
        %dma_wait3A_303 = tpu.memref_squeeze %dma_wait3A_302 : memref<1x80xi32, #tpu.memory_space<vmem>> -> memref<80xi32, #tpu.memory_space<vmem>>
        %dma_wait3A_304 = arith.constant 0 : i32
        %dma_wait3A_305 = arith.constant 0 : i32
        %dma_wait3A_306 = tpu.memref_slice %arg11[%dma_wait3A_304, %dma_wait3A_305] : memref<10240x128xf32, #tpu.memory_space<vmem_shared>> -> memref<10240x128xf32, #tpu.memory_space<vmem_shared>>
        tpu.wait_indirect_dma semaphore(%run_scoped3A_294 : memref<!tpu.dma_semaphore, #tpu.memory_space<semaphore_mem>>) src(%arg10 : memref<80x128xf32, #tpu.memory_space<vmem>>) dst(%dma_wait3A_306 : memref<10240x128xf32, #tpu.memory_space<vmem_shared>>)
        tpu.yield
      }) : () -> ()
    }
    %scan3A_144 = arith.constant 62 : i32
    %dma_wait3A_145 = arith.constant 9920 : i32
    %dma_wait3A_146 = tpu.memref_slice %arg7[%dma_wait3A_145] : memref<10000xi32, #tpu.memory_space<vmem>> -> memref<80xi32, #tpu.memory_space<vmem>>
    %dma_wait3A_147 = arith.constant 0 : i32
    %dma_wait3A_148 = arith.constant 0 : i32
    %dma_wait3A_149 = tpu.memref_slice %arg2[%dma_wait3A_147, %dma_wait3A_148] : memref<10000x128xf32, #tpu.memory_space<hbm>> -> memref<10000x128xf32, #tpu.memory_space<hbm>>
    tpu.wait_indirect_dma semaphore(%arg12 : memref<!tpu.dma_semaphore, #tpu.memory_space<semaphore_mem>>) src(%dma_wait3A_149 : memref<10000x128xf32, #tpu.memory_space<hbm>>) dst(%arg9 : memref<80x128xf32, #tpu.memory_space<vmem>>)
    %run_scoped3A = arith.constant 124 : i32
    "tpu.region"() ({
      %run_scoped3A_263 = tpu.sem_alloc : memref<!tpu.dma_semaphore, #tpu.memory_space<semaphore_mem>>
      %dma_start3A_264 = arith.constant 0 : i32
      %dma_start3A_265 = tpu.memref_slice %arg8[%run_scoped3A, %dma_start3A_264] : memref<125x80xi32, #tpu.memory_space<vmem>> -> memref<1x80xi32, #tpu.memory_space<vmem>>
      %dma_start3A_266 = tpu.memref_squeeze %dma_start3A_265 : memref<1x80xi32, #tpu.memory_space<vmem>> -> memref<80xi32, #tpu.memory_space<vmem>>
      %dma_start3A_267 = arith.constant 0 : i32
      %dma_start3A_268 = arith.constant 0 : i32
      %dma_start3A_269 = tpu.memref_slice %arg11[%dma_start3A_267, %dma_start3A_268] : memref<10240x128xf32, #tpu.memory_space<vmem_shared>> -> memref<10240x128xf32, #tpu.memory_space<vmem_shared>>
      tpu.enqueue_indirect_dma source(%arg9 : memref<80x128xf32, #tpu.memory_space<vmem>>) target(%dma_start3A_269 : memref<10240x128xf32, #tpu.memory_space<vmem_shared>>) offsets(%dma_start3A_266 : memref<80xi32, #tpu.memory_space<vmem>>) semaphore(%run_scoped3A_263 : memref<!tpu.dma_semaphore, #tpu.memory_space<semaphore_mem>>) {add = true}
      %dma_wait3A_270 = arith.constant 0 : i32
      %dma_wait3A_271 = tpu.memref_slice %arg8[%run_scoped3A, %dma_wait3A_270] : memref<125x80xi32, #tpu.memory_space<vmem>> -> memref<1x80xi32, #tpu.memory_space<vmem>>
      %dma_wait3A_272 = tpu.memref_squeeze %dma_wait3A_271 : memref<1x80xi32, #tpu.memory_space<vmem>> -> memref<80xi32, #tpu.memory_space<vmem>>
      %dma_wait3A_273 = arith.constant 0 : i32
      %dma_wait3A_274 = arith.constant 0 : i32
      %dma_wait3A_275 = tpu.memref_slice %arg11[%dma_wait3A_273, %dma_wait3A_274] : memref<10240x128xf32, #tpu.memory_space<vmem_shared>> -> memref<10240x128xf32, #tpu.memory_space<vmem_shared>>
      tpu.wait_indirect_dma semaphore(%run_scoped3A_263 : memref<!tpu.dma_semaphore, #tpu.memory_space<semaphore_mem>>) src(%arg9 : memref<80x128xf32, #tpu.memory_space<vmem>>) dst(%dma_wait3A_275 : memref<10240x128xf32, #tpu.memory_space<vmem_shared>>)
      tpu.yield
    }) : () -> ()
    %barrier3A_150 = arith.constant 0 : index
    tpu.barrier barrier_id(%barrier3A_150)
    %mul3A_151 = arith.constant 640 : i32
    %mul3A_152 = arith.muli %arg1, %mul3A_151 : i32
    %dma_start3A_153 = arith.constant 0 : i32
    %dma_start3A_154 = tpu.memref_slice %arg11[%mul3A_152, %dma_start3A_153] : memref<10240x128xf32, #tpu.memory_space<vmem_shared>> -> memref<80x128xf32, #tpu.memory_space<vmem_shared>>
    %dma_start3A_155 = arith.constant 0 : i32
    %dma_start3A_156 = tpu.memref_slice %arg11[%mul3A_152, %dma_start3A_155] : memref<10240x128xf32, #tpu.memory_space<vmem_shared>> -> memref<80x128xf32, #tpu.memory_space<vmem_shared>>
    tpu.enqueue_dma source(%dma_start3A_156 : memref<80x128xf32, #tpu.memory_space<vmem_shared>>) target(%arg9 : memref<80x128xf32, #tpu.memory_space<vmem>>) target_semaphore(%arg14 : memref<!tpu.dma_semaphore, #tpu.memory_space<semaphore_mem>>)
    %mul3A_157 = arith.constant 640 : i32
    %mul3A_158 = arith.muli %arg1, %mul3A_157 : i32
    %add3A_159 = arith.constant 0 : i32
    %add3A_160 = arith.addi %mul3A_158, %add3A_159 : i32
    %add3A_161 = arith.constant 80 : i32
    %add3A_162 = arith.addi %add3A_160, %add3A_161 : i32
    %dma_start3A_163 = arith.constant 0 : i32
    %dma_start3A_164 = tpu.memref_slice %arg11[%add3A_162, %dma_start3A_163] : memref<10240x128xf32, #tpu.memory_space<vmem_shared>> -> memref<80x128xf32, #tpu.memory_space<vmem_shared>>
    %dma_start3A_165 = arith.constant 0 : i32
    %dma_start3A_166 = tpu.memref_slice %arg11[%add3A_162, %dma_start3A_165] : memref<10240x128xf32, #tpu.memory_space<vmem_shared>> -> memref<80x128xf32, #tpu.memory_space<vmem_shared>>
    tpu.enqueue_dma source(%dma_start3A_166 : memref<80x128xf32, #tpu.memory_space<vmem_shared>>) target(%arg10 : memref<80x128xf32, #tpu.memory_space<vmem>>) target_semaphore(%arg15 : memref<!tpu.dma_semaphore, #tpu.memory_space<semaphore_mem>>)
    %dma_wait3A_167 = arith.constant 0 : i32
    %dma_wait3A_168 = tpu.memref_slice %arg11[%add3A_160, %dma_wait3A_167] : memref<10240x128xf32, #tpu.memory_space<vmem_shared>> -> memref<80x128xf32, #tpu.memory_space<vmem_shared>>
    %dma_wait3A_169 = arith.constant 0 : i32
    %dma_wait3A_170 = tpu.memref_slice %arg11[%add3A_160, %dma_wait3A_169] : memref<10240x128xf32, #tpu.memory_space<vmem_shared>> -> memref<80x128xf32, #tpu.memory_space<vmem_shared>>
    tpu.wait_dma2 semaphore(%arg14 : memref<!tpu.dma_semaphore, #tpu.memory_space<semaphore_mem>>) src(%dma_wait3A_170 : memref<80x128xf32, #tpu.memory_space<vmem_shared>>) dst(%arg9 : memref<80x128xf32, #tpu.memory_space<vmem>>)
    "tpu.region"() ({
      %run_scoped3A_263 = tpu.sem_alloc : memref<!tpu.dma_semaphore, #tpu.memory_space<semaphore_mem>>
      %dma_start3A_264 = arith.constant 0 : i32
      %dma_start3A_265 = tpu.memref_slice %arg6[%arg0, %add3A_160, %dma_start3A_264] : memref<2x10240x128xf32, #tpu.memory_space<hbm>> -> memref<1x80x128xf32, #tpu.memory_space<hbm>>
      %dma_start3A_266 = tpu.memref_squeeze %dma_start3A_265 : memref<1x80x128xf32, #tpu.memory_space<hbm>> -> memref<80x128xf32, #tpu.memory_space<hbm>>
      %dma_start3A_267 = arith.constant 0 : i32
      %dma_start3A_268 = tpu.memref_slice %arg6[%arg0, %add3A_160, %dma_start3A_267] : memref<2x10240x128xf32, #tpu.memory_space<hbm>> -> memref<1x80x128xf32, #tpu.memory_space<hbm>>
      %dma_start3A_269 = tpu.memref_squeeze %dma_start3A_268 : memref<1x80x128xf32, #tpu.memory_space<hbm>> -> memref<80x128xf32, #tpu.memory_space<hbm>>
      tpu.enqueue_dma source(%arg9 : memref<80x128xf32, #tpu.memory_space<vmem>>) target(%dma_start3A_269 : memref<80x128xf32, #tpu.memory_space<hbm>>) target_semaphore(%run_scoped3A_263 : memref<!tpu.dma_semaphore, #tpu.memory_space<semaphore_mem>>)
      %dma_wait3A_270 = arith.constant 0 : i32
      %dma_wait3A_271 = tpu.memref_slice %arg6[%arg0, %add3A_160, %dma_wait3A_270] : memref<2x10240x128xf32, #tpu.memory_space<hbm>> -> memref<1x80x128xf32, #tpu.memory_space<hbm>>
      %dma_wait3A_272 = tpu.memref_squeeze %dma_wait3A_271 : memref<1x80x128xf32, #tpu.memory_space<hbm>> -> memref<80x128xf32, #tpu.memory_space<hbm>>
      %dma_wait3A_273 = arith.constant 0 : i32
      %dma_wait3A_274 = tpu.memref_slice %arg6[%arg0, %add3A_160, %dma_wait3A_273] : memref<2x10240x128xf32, #tpu.memory_space<hbm>> -> memref<1x80x128xf32, #tpu.memory_space<hbm>>
      %dma_wait3A_275 = tpu.memref_squeeze %dma_wait3A_274 : memref<1x80x128xf32, #tpu.memory_space<hbm>> -> memref<80x128xf32, #tpu.memory_space<hbm>>
      tpu.wait_dma2 semaphore(%run_scoped3A_263 : memref<!tpu.dma_semaphore, #tpu.memory_space<semaphore_mem>>) src(%arg9 : memref<80x128xf32, #tpu.memory_space<vmem>>) dst(%dma_wait3A_275 : memref<80x128xf32, #tpu.memory_space<hbm>>)
      tpu.yield
    }) : () -> ()
    %mul3A_171 = arith.constant 640 : i32
    %mul3A_172 = arith.muli %arg1, %mul3A_171 : i32
    %add3A_173 = arith.constant 80 : i32
    %add3A_174 = arith.addi %mul3A_172, %add3A_173 : i32
    %add3A_175 = arith.constant 80 : i32
    %add3A_176 = arith.addi %add3A_174, %add3A_175 : i32
    %dma_start3A_177 = arith.constant 0 : i32
    %dma_start3A_178 = tpu.memref_slice %arg11[%add3A_176, %dma_start3A_177] : memref<10240x128xf32, #tpu.memory_space<vmem_shared>> -> memref<80x128xf32, #tpu.memory_space<vmem_shared>>
    %dma_start3A_179 = arith.constant 0 : i32
    %dma_start3A_180 = tpu.memref_slice %arg11[%add3A_176, %dma_start3A_179] : memref<10240x128xf32, #tpu.memory_space<vmem_shared>> -> memref<80x128xf32, #tpu.memory_space<vmem_shared>>
    tpu.enqueue_dma source(%dma_start3A_180 : memref<80x128xf32, #tpu.memory_space<vmem_shared>>) target(%arg9 : memref<80x128xf32, #tpu.memory_space<vmem>>) target_semaphore(%arg14 : memref<!tpu.dma_semaphore, #tpu.memory_space<semaphore_mem>>)
    %dma_wait3A_181 = arith.constant 0 : i32
    %dma_wait3A_182 = tpu.memref_slice %arg11[%add3A_174, %dma_wait3A_181] : memref<10240x128xf32, #tpu.memory_space<vmem_shared>> -> memref<80x128xf32, #tpu.memory_space<vmem_shared>>
    %dma_wait3A_183 = arith.constant 0 : i32
    %dma_wait3A_184 = tpu.memref_slice %arg11[%add3A_174, %dma_wait3A_183] : memref<10240x128xf32, #tpu.memory_space<vmem_shared>> -> memref<80x128xf32, #tpu.memory_space<vmem_shared>>
    tpu.wait_dma2 semaphore(%arg15 : memref<!tpu.dma_semaphore, #tpu.memory_space<semaphore_mem>>) src(%dma_wait3A_184 : memref<80x128xf32, #tpu.memory_space<vmem_shared>>) dst(%arg10 : memref<80x128xf32, #tpu.memory_space<vmem>>)
    "tpu.region"() ({
      %run_scoped3A_263 = tpu.sem_alloc : memref<!tpu.dma_semaphore, #tpu.memory_space<semaphore_mem>>
      %dma_start3A_264 = arith.constant 0 : i32
      %dma_start3A_265 = tpu.memref_slice %arg6[%arg0, %add3A_174, %dma_start3A_264] : memref<2x10240x128xf32, #tpu.memory_space<hbm>> -> memref<1x80x128xf32, #tpu.memory_space<hbm>>
      %dma_start3A_266 = tpu.memref_squeeze %dma_start3A_265 : memref<1x80x128xf32, #tpu.memory_space<hbm>> -> memref<80x128xf32, #tpu.memory_space<hbm>>
      %dma_start3A_267 = arith.constant 0 : i32
      %dma_start3A_268 = tpu.memref_slice %arg6[%arg0, %add3A_174, %dma_start3A_267] : memref<2x10240x128xf32, #tpu.memory_space<hbm>> -> memref<1x80x128xf32, #tpu.memory_space<hbm>>
      %dma_start3A_269 = tpu.memref_squeeze %dma_start3A_268 : memref<1x80x128xf32, #tpu.memory_space<hbm>> -> memref<80x128xf32, #tpu.memory_space<hbm>>
      tpu.enqueue_dma source(%arg10 : memref<80x128xf32, #tpu.memory_space<vmem>>) target(%dma_start3A_269 : memref<80x128xf32, #tpu.memory_space<hbm>>) target_semaphore(%run_scoped3A_263 : memref<!tpu.dma_semaphore, #tpu.memory_space<semaphore_mem>>)
      %dma_wait3A_270 = arith.constant 0 : i32
      %dma_wait3A_271 = tpu.memref_slice %arg6[%arg0, %add3A_174, %dma_wait3A_270] : memref<2x10240x128xf32, #tpu.memory_space<hbm>> -> memref<1x80x128xf32, #tpu.memory_space<hbm>>
      %dma_wait3A_272 = tpu.memref_squeeze %dma_wait3A_271 : memref<1x80x128xf32, #tpu.memory_space<hbm>> -> memref<80x128xf32, #tpu.memory_space<hbm>>
      %dma_wait3A_273 = arith.constant 0 : i32
      %dma_wait3A_274 = tpu.memref_slice %arg6[%arg0, %add3A_174, %dma_wait3A_273] : memref<2x10240x128xf32, #tpu.memory_space<hbm>> -> memref<1x80x128xf32, #tpu.memory_space<hbm>>
      %dma_wait3A_275 = tpu.memref_squeeze %dma_wait3A_274 : memref<1x80x128xf32, #tpu.memory_space<hbm>> -> memref<80x128xf32, #tpu.memory_space<hbm>>
      tpu.wait_dma2 semaphore(%run_scoped3A_263 : memref<!tpu.dma_semaphore, #tpu.memory_space<semaphore_mem>>) src(%arg10 : memref<80x128xf32, #tpu.memory_space<vmem>>) dst(%dma_wait3A_275 : memref<80x128xf32, #tpu.memory_space<hbm>>)
      tpu.yield
    }) : () -> ()
    %mul3A_185 = arith.constant 640 : i32
    %mul3A_186 = arith.muli %arg1, %mul3A_185 : i32
    %add3A_187 = arith.constant 160 : i32
    %add3A_188 = arith.addi %mul3A_186, %add3A_187 : i32
    %add3A_189 = arith.constant 80 : i32
    %add3A_190 = arith.addi %add3A_188, %add3A_189 : i32
    %dma_start3A_191 = arith.constant 0 : i32
    %dma_start3A_192 = tpu.memref_slice %arg11[%add3A_190, %dma_start3A_191] : memref<10240x128xf32, #tpu.memory_space<vmem_shared>> -> memref<80x128xf32, #tpu.memory_space<vmem_shared>>
    %dma_start3A_193 = arith.constant 0 : i32
    %dma_start3A_194 = tpu.memref_slice %arg11[%add3A_190, %dma_start3A_193] : memref<10240x128xf32, #tpu.memory_space<vmem_shared>> -> memref<80x128xf32, #tpu.memory_space<vmem_shared>>
    tpu.enqueue_dma source(%dma_start3A_194 : memref<80x128xf32, #tpu.memory_space<vmem_shared>>) target(%arg10 : memref<80x128xf32, #tpu.memory_space<vmem>>) target_semaphore(%arg15 : memref<!tpu.dma_semaphore, #tpu.memory_space<semaphore_mem>>)
    %dma_wait3A_195 = arith.constant 0 : i32
    %dma_wait3A_196 = tpu.memref_slice %arg11[%add3A_188, %dma_wait3A_195] : memref<10240x128xf32, #tpu.memory_space<vmem_shared>> -> memref<80x128xf32, #tpu.memory_space<vmem_shared>>
    %dma_wait3A_197 = arith.constant 0 : i32
    %dma_wait3A_198 = tpu.memref_slice %arg11[%add3A_188, %dma_wait3A_197] : memref<10240x128xf32, #tpu.memory_space<vmem_shared>> -> memref<80x128xf32, #tpu.memory_space<vmem_shared>>
    tpu.wait_dma2 semaphore(%arg14 : memref<!tpu.dma_semaphore, #tpu.memory_space<semaphore_mem>>) src(%dma_wait3A_198 : memref<80x128xf32, #tpu.memory_space<vmem_shared>>) dst(%arg9 : memref<80x128xf32, #tpu.memory_space<vmem>>)
    "tpu.region"() ({
      %run_scoped3A_263 = tpu.sem_alloc : memref<!tpu.dma_semaphore, #tpu.memory_space<semaphore_mem>>
      %dma_start3A_264 = arith.constant 0 : i32
      %dma_start3A_265 = tpu.memref_slice %arg6[%arg0, %add3A_188, %dma_start3A_264] : memref<2x10240x128xf32, #tpu.memory_space<hbm>> -> memref<1x80x128xf32, #tpu.memory_space<hbm>>
      %dma_start3A_266 = tpu.memref_squeeze %dma_start3A_265 : memref<1x80x128xf32, #tpu.memory_space<hbm>> -> memref<80x128xf32, #tpu.memory_space<hbm>>
      %dma_start3A_267 = arith.constant 0 : i32
      %dma_start3A_268 = tpu.memref_slice %arg6[%arg0, %add3A_188, %dma_start3A_267] : memref<2x10240x128xf32, #tpu.memory_space<hbm>> -> memref<1x80x128xf32, #tpu.memory_space<hbm>>
      %dma_start3A_269 = tpu.memref_squeeze %dma_start3A_268 : memref<1x80x128xf32, #tpu.memory_space<hbm>> -> memref<80x128xf32, #tpu.memory_space<hbm>>
      tpu.enqueue_dma source(%arg9 : memref<80x128xf32, #tpu.memory_space<vmem>>) target(%dma_start3A_269 : memref<80x128xf32, #tpu.memory_space<hbm>>) target_semaphore(%run_scoped3A_263 : memref<!tpu.dma_semaphore, #tpu.memory_space<semaphore_mem>>)
      %dma_wait3A_270 = arith.constant 0 : i32
      %dma_wait3A_271 = tpu.memref_slice %arg6[%arg0, %add3A_188, %dma_wait3A_270] : memref<2x10240x128xf32, #tpu.memory_space<hbm>> -> memref<1x80x128xf32, #tpu.memory_space<hbm>>
      %dma_wait3A_272 = tpu.memref_squeeze %dma_wait3A_271 : memref<1x80x128xf32, #tpu.memory_space<hbm>> -> memref<80x128xf32, #tpu.memory_space<hbm>>
      %dma_wait3A_273 = arith.constant 0 : i32
      %dma_wait3A_274 = tpu.memref_slice %arg6[%arg0, %add3A_188, %dma_wait3A_273] : memref<2x10240x128xf32, #tpu.memory_space<hbm>> -> memref<1x80x128xf32, #tpu.memory_space<hbm>>
      %dma_wait3A_275 = tpu.memref_squeeze %dma_wait3A_274 : memref<1x80x128xf32, #tpu.memory_space<hbm>> -> memref<80x128xf32, #tpu.memory_space<hbm>>
      tpu.wait_dma2 semaphore(%run_scoped3A_263 : memref<!tpu.dma_semaphore, #tpu.memory_space<semaphore_mem>>) src(%arg9 : memref<80x128xf32, #tpu.memory_space<vmem>>) dst(%dma_wait3A_275 : memref<80x128xf32, #tpu.memory_space<hbm>>)
      tpu.yield
    }) : () -> ()
    %mul3A_199 = arith.constant 640 : i32
    %mul3A_200 = arith.muli %arg1, %mul3A_199 : i32
    %add3A_201 = arith.constant 240 : i32
    %add3A_202 = arith.addi %mul3A_200, %add3A_201 : i32
    %add3A_203 = arith.constant 80 : i32
    %add3A_204 = arith.addi %add3A_202, %add3A_203 : i32
    %dma_start3A_205 = arith.constant 0 : i32
    %dma_start3A_206 = tpu.memref_slice %arg11[%add3A_204, %dma_start3A_205] : memref<10240x128xf32, #tpu.memory_space<vmem_shared>> -> memref<80x128xf32, #tpu.memory_space<vmem_shared>>
    %dma_start3A_207 = arith.constant 0 : i32
    %dma_start3A_208 = tpu.memref_slice %arg11[%add3A_204, %dma_start3A_207] : memref<10240x128xf32, #tpu.memory_space<vmem_shared>> -> memref<80x128xf32, #tpu.memory_space<vmem_shared>>
    tpu.enqueue_dma source(%dma_start3A_208 : memref<80x128xf32, #tpu.memory_space<vmem_shared>>) target(%arg9 : memref<80x128xf32, #tpu.memory_space<vmem>>) target_semaphore(%arg14 : memref<!tpu.dma_semaphore, #tpu.memory_space<semaphore_mem>>)
    %dma_wait3A_209 = arith.constant 0 : i32
    %dma_wait3A_210 = tpu.memref_slice %arg11[%add3A_202, %dma_wait3A_209] : memref<10240x128xf32, #tpu.memory_space<vmem_shared>> -> memref<80x128xf32, #tpu.memory_space<vmem_shared>>
    %dma_wait3A_211 = arith.constant 0 : i32
    %dma_wait3A_212 = tpu.memref_slice %arg11[%add3A_202, %dma_wait3A_211] : memref<10240x128xf32, #tpu.memory_space<vmem_shared>> -> memref<80x128xf32, #tpu.memory_space<vmem_shared>>
    tpu.wait_dma2 semaphore(%arg15 : memref<!tpu.dma_semaphore, #tpu.memory_space<semaphore_mem>>) src(%dma_wait3A_212 : memref<80x128xf32, #tpu.memory_space<vmem_shared>>) dst(%arg10 : memref<80x128xf32, #tpu.memory_space<vmem>>)
    "tpu.region"() ({
      %run_scoped3A_263 = tpu.sem_alloc : memref<!tpu.dma_semaphore, #tpu.memory_space<semaphore_mem>>
      %dma_start3A_264 = arith.constant 0 : i32
      %dma_start3A_265 = tpu.memref_slice %arg6[%arg0, %add3A_202, %dma_start3A_264] : memref<2x10240x128xf32, #tpu.memory_space<hbm>> -> memref<1x80x128xf32, #tpu.memory_space<hbm>>
      %dma_start3A_266 = tpu.memref_squeeze %dma_start3A_265 : memref<1x80x128xf32, #tpu.memory_space<hbm>> -> memref<80x128xf32, #tpu.memory_space<hbm>>
      %dma_start3A_267 = arith.constant 0 : i32
      %dma_start3A_268 = tpu.memref_slice %arg6[%arg0, %add3A_202, %dma_start3A_267] : memref<2x10240x128xf32, #tpu.memory_space<hbm>> -> memref<1x80x128xf32, #tpu.memory_space<hbm>>
      %dma_start3A_269 = tpu.memref_squeeze %dma_start3A_268 : memref<1x80x128xf32, #tpu.memory_space<hbm>> -> memref<80x128xf32, #tpu.memory_space<hbm>>
      tpu.enqueue_dma source(%arg10 : memref<80x128xf32, #tpu.memory_space<vmem>>) target(%dma_start3A_269 : memref<80x128xf32, #tpu.memory_space<hbm>>) target_semaphore(%run_scoped3A_263 : memref<!tpu.dma_semaphore, #tpu.memory_space<semaphore_mem>>)
      %dma_wait3A_270 = arith.constant 0 : i32
      %dma_wait3A_271 = tpu.memref_slice %arg6[%arg0, %add3A_202, %dma_wait3A_270] : memref<2x10240x128xf32, #tpu.memory_space<hbm>> -> memref<1x80x128xf32, #tpu.memory_space<hbm>>
      %dma_wait3A_272 = tpu.memref_squeeze %dma_wait3A_271 : memref<1x80x128xf32, #tpu.memory_space<hbm>> -> memref<80x128xf32, #tpu.memory_space<hbm>>
      %dma_wait3A_273 = arith.constant 0 : i32
      %dma_wait3A_274 = tpu.memref_slice %arg6[%arg0, %add3A_202, %dma_wait3A_273] : memref<2x10240x128xf32, #tpu.memory_space<hbm>> -> memref<1x80x128xf32, #tpu.memory_space<hbm>>
      %dma_wait3A_275 = tpu.memref_squeeze %dma_wait3A_274 : memref<1x80x128xf32, #tpu.memory_space<hbm>> -> memref<80x128xf32, #tpu.memory_space<hbm>>
      tpu.wait_dma2 semaphore(%run_scoped3A_263 : memref<!tpu.dma_semaphore, #tpu.memory_space<semaphore_mem>>) src(%arg10 : memref<80x128xf32, #tpu.memory_space<vmem>>) dst(%dma_wait3A_275 : memref<80x128xf32, #tpu.memory_space<hbm>>)
      tpu.yield
    }) : () -> ()
    %mul3A_213 = arith.constant 640 : i32
    %mul3A_214 = arith.muli %arg1, %mul3A_213 : i32
    %add3A_215 = arith.constant 320 : i32
    %add3A_216 = arith.addi %mul3A_214, %add3A_215 : i32
    %add3A_217 = arith.constant 80 : i32
    %add3A_218 = arith.addi %add3A_216, %add3A_217 : i32
    %dma_start3A_219 = arith.constant 0 : i32
    %dma_start3A_220 = tpu.memref_slice %arg11[%add3A_218, %dma_start3A_219] : memref<10240x128xf32, #tpu.memory_space<vmem_shared>> -> memref<80x128xf32, #tpu.memory_space<vmem_shared>>
    %dma_start3A_221 = arith.constant 0 : i32
    %dma_start3A_222 = tpu.memref_slice %arg11[%add3A_218, %dma_start3A_221] : memref<10240x128xf32, #tpu.memory_space<vmem_shared>> -> memref<80x128xf32, #tpu.memory_space<vmem_shared>>
    tpu.enqueue_dma source(%dma_start3A_222 : memref<80x128xf32, #tpu.memory_space<vmem_shared>>) target(%arg10 : memref<80x128xf32, #tpu.memory_space<vmem>>) target_semaphore(%arg15 : memref<!tpu.dma_semaphore, #tpu.memory_space<semaphore_mem>>)
    %dma_wait3A_223 = arith.constant 0 : i32
    %dma_wait3A_224 = tpu.memref_slice %arg11[%add3A_216, %dma_wait3A_223] : memref<10240x128xf32, #tpu.memory_space<vmem_shared>> -> memref<80x128xf32, #tpu.memory_space<vmem_shared>>
    %dma_wait3A_225 = arith.constant 0 : i32
    %dma_wait3A_226 = tpu.memref_slice %arg11[%add3A_216, %dma_wait3A_225] : memref<10240x128xf32, #tpu.memory_space<vmem_shared>> -> memref<80x128xf32, #tpu.memory_space<vmem_shared>>
    tpu.wait_dma2 semaphore(%arg14 : memref<!tpu.dma_semaphore, #tpu.memory_space<semaphore_mem>>) src(%dma_wait3A_226 : memref<80x128xf32, #tpu.memory_space<vmem_shared>>) dst(%arg9 : memref<80x128xf32, #tpu.memory_space<vmem>>)
    "tpu.region"() ({
      %run_scoped3A_263 = tpu.sem_alloc : memref<!tpu.dma_semaphore, #tpu.memory_space<semaphore_mem>>
      %dma_start3A_264 = arith.constant 0 : i32
      %dma_start3A_265 = tpu.memref_slice %arg6[%arg0, %add3A_216, %dma_start3A_264] : memref<2x10240x128xf32, #tpu.memory_space<hbm>> -> memref<1x80x128xf32, #tpu.memory_space<hbm>>
      %dma_start3A_266 = tpu.memref_squeeze %dma_start3A_265 : memref<1x80x128xf32, #tpu.memory_space<hbm>> -> memref<80x128xf32, #tpu.memory_space<hbm>>
      %dma_start3A_267 = arith.constant 0 : i32
      %dma_start3A_268 = tpu.memref_slice %arg6[%arg0, %add3A_216, %dma_start3A_267] : memref<2x10240x128xf32, #tpu.memory_space<hbm>> -> memref<1x80x128xf32, #tpu.memory_space<hbm>>
      %dma_start3A_269 = tpu.memref_squeeze %dma_start3A_268 : memref<1x80x128xf32, #tpu.memory_space<hbm>> -> memref<80x128xf32, #tpu.memory_space<hbm>>
      tpu.enqueue_dma source(%arg9 : memref<80x128xf32, #tpu.memory_space<vmem>>) target(%dma_start3A_269 : memref<80x128xf32, #tpu.memory_space<hbm>>) target_semaphore(%run_scoped3A_263 : memref<!tpu.dma_semaphore, #tpu.memory_space<semaphore_mem>>)
      %dma_wait3A_270 = arith.constant 0 : i32
      %dma_wait3A_271 = tpu.memref_slice %arg6[%arg0, %add3A_216, %dma_wait3A_270] : memref<2x10240x128xf32, #tpu.memory_space<hbm>> -> memref<1x80x128xf32, #tpu.memory_space<hbm>>
      %dma_wait3A_272 = tpu.memref_squeeze %dma_wait3A_271 : memref<1x80x128xf32, #tpu.memory_space<hbm>> -> memref<80x128xf32, #tpu.memory_space<hbm>>
      %dma_wait3A_273 = arith.constant 0 : i32
      %dma_wait3A_274 = tpu.memref_slice %arg6[%arg0, %add3A_216, %dma_wait3A_273] : memref<2x10240x128xf32, #tpu.memory_space<hbm>> -> memref<1x80x128xf32, #tpu.memory_space<hbm>>
      %dma_wait3A_275 = tpu.memref_squeeze %dma_wait3A_274 : memref<1x80x128xf32, #tpu.memory_space<hbm>> -> memref<80x128xf32, #tpu.memory_space<hbm>>
      tpu.wait_dma2 semaphore(%run_scoped3A_263 : memref<!tpu.dma_semaphore, #tpu.memory_space<semaphore_mem>>) src(%arg9 : memref<80x128xf32, #tpu.memory_space<vmem>>) dst(%dma_wait3A_275 : memref<80x128xf32, #tpu.memory_space<hbm>>)
      tpu.yield
    }) : () -> ()
    %mul3A_227 = arith.constant 640 : i32
    %mul3A_228 = arith.muli %arg1, %mul3A_227 : i32
    %add3A_229 = arith.constant 400 : i32
    %add3A_230 = arith.addi %mul3A_228, %add3A_229 : i32
    %add3A_231 = arith.constant 80 : i32
    %add3A_232 = arith.addi %add3A_230, %add3A_231 : i32
    %dma_start3A_233 = arith.constant 0 : i32
    %dma_start3A_234 = tpu.memref_slice %arg11[%add3A_232, %dma_start3A_233] : memref<10240x128xf32, #tpu.memory_space<vmem_shared>> -> memref<80x128xf32, #tpu.memory_space<vmem_shared>>
    %dma_start3A_235 = arith.constant 0 : i32
    %dma_start3A_236 = tpu.memref_slice %arg11[%add3A_232, %dma_start3A_235] : memref<10240x128xf32, #tpu.memory_space<vmem_shared>> -> memref<80x128xf32, #tpu.memory_space<vmem_shared>>
    tpu.enqueue_dma source(%dma_start3A_236 : memref<80x128xf32, #tpu.memory_space<vmem_shared>>) target(%arg9 : memref<80x128xf32, #tpu.memory_space<vmem>>) target_semaphore(%arg14 : memref<!tpu.dma_semaphore, #tpu.memory_space<semaphore_mem>>)
    %dma_wait3A_237 = arith.constant 0 : i32
    %dma_wait3A_238 = tpu.memref_slice %arg11[%add3A_230, %dma_wait3A_237] : memref<10240x128xf32, #tpu.memory_space<vmem_shared>> -> memref<80x128xf32, #tpu.memory_space<vmem_shared>>
    %dma_wait3A_239 = arith.constant 0 : i32
    %dma_wait3A_240 = tpu.memref_slice %arg11[%add3A_230, %dma_wait3A_239] : memref<10240x128xf32, #tpu.memory_space<vmem_shared>> -> memref<80x128xf32, #tpu.memory_space<vmem_shared>>
    tpu.wait_dma2 semaphore(%arg15 : memref<!tpu.dma_semaphore, #tpu.memory_space<semaphore_mem>>) src(%dma_wait3A_240 : memref<80x128xf32, #tpu.memory_space<vmem_shared>>) dst(%arg10 : memref<80x128xf32, #tpu.memory_space<vmem>>)
    "tpu.region"() ({
      %run_scoped3A_263 = tpu.sem_alloc : memref<!tpu.dma_semaphore, #tpu.memory_space<semaphore_mem>>
      %dma_start3A_264 = arith.constant 0 : i32
      %dma_start3A_265 = tpu.memref_slice %arg6[%arg0, %add3A_230, %dma_start3A_264] : memref<2x10240x128xf32, #tpu.memory_space<hbm>> -> memref<1x80x128xf32, #tpu.memory_space<hbm>>
      %dma_start3A_266 = tpu.memref_squeeze %dma_start3A_265 : memref<1x80x128xf32, #tpu.memory_space<hbm>> -> memref<80x128xf32, #tpu.memory_space<hbm>>
      %dma_start3A_267 = arith.constant 0 : i32
      %dma_start3A_268 = tpu.memref_slice %arg6[%arg0, %add3A_230, %dma_start3A_267] : memref<2x10240x128xf32, #tpu.memory_space<hbm>> -> memref<1x80x128xf32, #tpu.memory_space<hbm>>
      %dma_start3A_269 = tpu.memref_squeeze %dma_start3A_268 : memref<1x80x128xf32, #tpu.memory_space<hbm>> -> memref<80x128xf32, #tpu.memory_space<hbm>>
      tpu.enqueue_dma source(%arg10 : memref<80x128xf32, #tpu.memory_space<vmem>>) target(%dma_start3A_269 : memref<80x128xf32, #tpu.memory_space<hbm>>) target_semaphore(%run_scoped3A_263 : memref<!tpu.dma_semaphore, #tpu.memory_space<semaphore_mem>>)
      %dma_wait3A_270 = arith.constant 0 : i32
      %dma_wait3A_271 = tpu.memref_slice %arg6[%arg0, %add3A_230, %dma_wait3A_270] : memref<2x10240x128xf32, #tpu.memory_space<hbm>> -> memref<1x80x128xf32, #tpu.memory_space<hbm>>
      %dma_wait3A_272 = tpu.memref_squeeze %dma_wait3A_271 : memref<1x80x128xf32, #tpu.memory_space<hbm>> -> memref<80x128xf32, #tpu.memory_space<hbm>>
      %dma_wait3A_273 = arith.constant 0 : i32
      %dma_wait3A_274 = tpu.memref_slice %arg6[%arg0, %add3A_230, %dma_wait3A_273] : memref<2x10240x128xf32, #tpu.memory_space<hbm>> -> memref<1x80x128xf32, #tpu.memory_space<hbm>>
      %dma_wait3A_275 = tpu.memref_squeeze %dma_wait3A_274 : memref<1x80x128xf32, #tpu.memory_space<hbm>> -> memref<80x128xf32, #tpu.memory_space<hbm>>
      tpu.wait_dma2 semaphore(%run_scoped3A_263 : memref<!tpu.dma_semaphore, #tpu.memory_space<semaphore_mem>>) src(%arg10 : memref<80x128xf32, #tpu.memory_space<vmem>>) dst(%dma_wait3A_275 : memref<80x128xf32, #tpu.memory_space<hbm>>)
      tpu.yield
    }) : () -> ()
    %mul3A_241 = arith.constant 640 : i32
    %mul3A_242 = arith.muli %arg1, %mul3A_241 : i32
    %add3A_243 = arith.constant 480 : i32
    %add3A_244 = arith.addi %mul3A_242, %add3A_243 : i32
    %add3A_245 = arith.constant 80 : i32
    %add3A_246 = arith.addi %add3A_244, %add3A_245 : i32
    %dma_start3A_247 = arith.constant 0 : i32
    %dma_start3A_248 = tpu.memref_slice %arg11[%add3A_246, %dma_start3A_247] : memref<10240x128xf32, #tpu.memory_space<vmem_shared>> -> memref<80x128xf32, #tpu.memory_space<vmem_shared>>
    %dma_start3A_249 = arith.constant 0 : i32
    %dma_start3A_250 = tpu.memref_slice %arg11[%add3A_246, %dma_start3A_249] : memref<10240x128xf32, #tpu.memory_space<vmem_shared>> -> memref<80x128xf32, #tpu.memory_space<vmem_shared>>
    tpu.enqueue_dma source(%dma_start3A_250 : memref<80x128xf32, #tpu.memory_space<vmem_shared>>) target(%arg10 : memref<80x128xf32, #tpu.memory_space<vmem>>) target_semaphore(%arg15 : memref<!tpu.dma_semaphore, #tpu.memory_space<semaphore_mem>>)
    %dma_wait3A_251 = arith.constant 0 : i32
    %dma_wait3A_252 = tpu.memref_slice %arg11[%add3A_244, %dma_wait3A_251] : memref<10240x128xf32, #tpu.memory_space<vmem_shared>> -> memref<80x128xf32, #tpu.memory_space<vmem_shared>>
    %dma_wait3A_253 = arith.constant 0 : i32
    %dma_wait3A_254 = tpu.memref_slice %arg11[%add3A_244, %dma_wait3A_253] : memref<10240x128xf32, #tpu.memory_space<vmem_shared>> -> memref<80x128xf32, #tpu.memory_space<vmem_shared>>
    tpu.wait_dma2 semaphore(%arg14 : memref<!tpu.dma_semaphore, #tpu.memory_space<semaphore_mem>>) src(%dma_wait3A_254 : memref<80x128xf32, #tpu.memory_space<vmem_shared>>) dst(%arg9 : memref<80x128xf32, #tpu.memory_space<vmem>>)
    "tpu.region"() ({
      %run_scoped3A_263 = tpu.sem_alloc : memref<!tpu.dma_semaphore, #tpu.memory_space<semaphore_mem>>
      %dma_start3A_264 = arith.constant 0 : i32
      %dma_start3A_265 = tpu.memref_slice %arg6[%arg0, %add3A_244, %dma_start3A_264] : memref<2x10240x128xf32, #tpu.memory_space<hbm>> -> memref<1x80x128xf32, #tpu.memory_space<hbm>>
      %dma_start3A_266 = tpu.memref_squeeze %dma_start3A_265 : memref<1x80x128xf32, #tpu.memory_space<hbm>> -> memref<80x128xf32, #tpu.memory_space<hbm>>
      %dma_start3A_267 = arith.constant 0 : i32
      %dma_start3A_268 = tpu.memref_slice %arg6[%arg0, %add3A_244, %dma_start3A_267] : memref<2x10240x128xf32, #tpu.memory_space<hbm>> -> memref<1x80x128xf32, #tpu.memory_space<hbm>>
      %dma_start3A_269 = tpu.memref_squeeze %dma_start3A_268 : memref<1x80x128xf32, #tpu.memory_space<hbm>> -> memref<80x128xf32, #tpu.memory_space<hbm>>
      tpu.enqueue_dma source(%arg9 : memref<80x128xf32, #tpu.memory_space<vmem>>) target(%dma_start3A_269 : memref<80x128xf32, #tpu.memory_space<hbm>>) target_semaphore(%run_scoped3A_263 : memref<!tpu.dma_semaphore, #tpu.memory_space<semaphore_mem>>)
      %dma_wait3A_270 = arith.constant 0 : i32
      %dma_wait3A_271 = tpu.memref_slice %arg6[%arg0, %add3A_244, %dma_wait3A_270] : memref<2x10240x128xf32, #tpu.memory_space<hbm>> -> memref<1x80x128xf32, #tpu.memory_space<hbm>>
      %dma_wait3A_272 = tpu.memref_squeeze %dma_wait3A_271 : memref<1x80x128xf32, #tpu.memory_space<hbm>> -> memref<80x128xf32, #tpu.memory_space<hbm>>
      %dma_wait3A_273 = arith.constant 0 : i32
      %dma_wait3A_274 = tpu.memref_slice %arg6[%arg0, %add3A_244, %dma_wait3A_273] : memref<2x10240x128xf32, #tpu.memory_space<hbm>> -> memref<1x80x128xf32, #tpu.memory_space<hbm>>
      %dma_wait3A_275 = tpu.memref_squeeze %dma_wait3A_274 : memref<1x80x128xf32, #tpu.memory_space<hbm>> -> memref<80x128xf32, #tpu.memory_space<hbm>>
      tpu.wait_dma2 semaphore(%run_scoped3A_263 : memref<!tpu.dma_semaphore, #tpu.memory_space<semaphore_mem>>) src(%arg9 : memref<80x128xf32, #tpu.memory_space<vmem>>) dst(%dma_wait3A_275 : memref<80x128xf32, #tpu.memory_space<hbm>>)
      tpu.yield
    }) : () -> ()
    %mul3A_255 = arith.constant 640 : i32
    %mul3A_256 = arith.muli %arg1, %mul3A_255 : i32
    %add3A_257 = arith.constant 560 : i32
    %add3A_258 = arith.addi %mul3A_256, %add3A_257 : i32
    %dma_wait3A_259 = arith.constant 0 : i32
    %dma_wait3A_260 = tpu.memref_slice %arg11[%add3A_258, %dma_wait3A_259] : memref<10240x128xf32, #tpu.memory_space<vmem_shared>> -> memref<80x128xf32, #tpu.memory_space<vmem_shared>>
    %dma_wait3A_261 = arith.constant 0 : i32
    %dma_wait3A_262 = tpu.memref_slice %arg11[%add3A_258, %dma_wait3A_261] : memref<10240x128xf32, #tpu.memory_space<vmem_shared>> -> memref<80x128xf32, #tpu.memory_space<vmem_shared>>
    tpu.wait_dma2 semaphore(%arg15 : memref<!tpu.dma_semaphore, #tpu.memory_space<semaphore_mem>>) src(%dma_wait3A_262 : memref<80x128xf32, #tpu.memory_space<vmem_shared>>) dst(%arg10 : memref<80x128xf32, #tpu.memory_space<vmem>>)
    "tpu.region"() ({
      %run_scoped3A_263 = tpu.sem_alloc : memref<!tpu.dma_semaphore, #tpu.memory_space<semaphore_mem>>
      %dma_start3A_264 = arith.constant 0 : i32
      %dma_start3A_265 = tpu.memref_slice %arg6[%arg0, %add3A_258, %dma_start3A_264] : memref<2x10240x128xf32, #tpu.memory_space<hbm>> -> memref<1x80x128xf32, #tpu.memory_space<hbm>>
      %dma_start3A_266 = tpu.memref_squeeze %dma_start3A_265 : memref<1x80x128xf32, #tpu.memory_space<hbm>> -> memref<80x128xf32, #tpu.memory_space<hbm>>
      %dma_start3A_267 = arith.constant 0 : i32
      %dma_start3A_268 = tpu.memref_slice %arg6[%arg0, %add3A_258, %dma_start3A_267] : memref<2x10240x128xf32, #tpu.memory_space<hbm>> -> memref<1x80x128xf32, #tpu.memory_space<hbm>>
      %dma_start3A_269 = tpu.memref_squeeze %dma_start3A_268 : memref<1x80x128xf32, #tpu.memory_space<hbm>> -> memref<80x128xf32, #tpu.memory_space<hbm>>
      tpu.enqueue_dma source(%arg10 : memref<80x128xf32, #tpu.memory_space<vmem>>) target(%dma_start3A_269 : memref<80x128xf32, #tpu.memory_space<hbm>>) target_semaphore(%run_scoped3A_263 : memref<!tpu.dma_semaphore, #tpu.memory_space<semaphore_mem>>)
      %dma_wait3A_270 = arith.constant 0 : i32
      %dma_wait3A_271 = tpu.memref_slice %arg6[%arg0, %add3A_258, %dma_wait3A_270] : memref<2x10240x128xf32, #tpu.memory_space<hbm>> -> memref<1x80x128xf32, #tpu.memory_space<hbm>>
      %dma_wait3A_272 = tpu.memref_squeeze %dma_wait3A_271 : memref<1x80x128xf32, #tpu.memory_space<hbm>> -> memref<80x128xf32, #tpu.memory_space<hbm>>
      %dma_wait3A_273 = arith.constant 0 : i32
      %dma_wait3A_274 = tpu.memref_slice %arg6[%arg0, %add3A_258, %dma_wait3A_273] : memref<2x10240x128xf32, #tpu.memory_space<hbm>> -> memref<1x80x128xf32, #tpu.memory_space<hbm>>
      %dma_wait3A_275 = tpu.memref_squeeze %dma_wait3A_274 : memref<1x80x128xf32, #tpu.memory_space<hbm>> -> memref<80x128xf32, #tpu.memory_space<hbm>>
      tpu.wait_dma2 semaphore(%run_scoped3A_263 : memref<!tpu.dma_semaphore, #tpu.memory_space<semaphore_mem>>) src(%arg10 : memref<80x128xf32, #tpu.memory_space<vmem>>) dst(%dma_wait3A_275 : memref<80x128xf32, #tpu.memory_space<hbm>>)
      tpu.yield
    }) : () -> ()
    return
  }
}

module attributes {stable_mosaic.version = 14 : i64} {
  func.func @body(%arg0: i32, %arg1: memref<1000x128xf32, #tpu.memory_space<vmem>>, %arg2: memref<128x128xf32, #tpu.memory_space<vmem>>, %arg3: memref<128x128xf32, #tpu.memory_space<vmem>>, %arg4: memref<1x128xf32, #tpu.memory_space<vmem>>, %arg5: memref<1000x128xf32, #tpu.memory_space<vmem>>, %arg6: memref<1000x128xf32, #tpu.memory_space<vmem>>, %arg7: memref<1000x128xf32, #tpu.memory_space<vmem>>) attributes {dimension_semantics = [#tpu.dimension_semantics<arbitrary>], iteration_bounds = array<i64: 10>, scalar_prefetch = 0 : i64, scratch_operands = 0 : i64, tpu.core_type = #tpu.core_type<tc>, window_params = [{transform_indices = @transform_0, window_bounds = array<i64: 1000, 128>}, {pipeline_mode = #tpu.pipeline_mode<synchronous>, transform_indices = @transform_1, window_bounds = array<i64: 128, 128>}, {pipeline_mode = #tpu.pipeline_mode<synchronous>, transform_indices = @transform_2, window_bounds = array<i64: 128, 128>}, {pipeline_mode = #tpu.pipeline_mode<synchronous>, transform_indices = @transform_3, window_bounds = array<i64: 1, 128>}, {transform_indices = @transform_4, window_bounds = array<i64: 1000, 128>}, {transform_indices = @transform_5, window_bounds = array<i64: 1000, 128>}, {transform_indices = @transform_6, window_bounds = array<i64: 1000, 128>}]} {
    %get3A = arith.constant 0 : index
    %get3A_0 = arith.constant 0 : index
    %get3A_1 = vector.load %arg5[%get3A, %get3A_0] : memref<1000x128xf32, #tpu.memory_space<vmem>>, vector<1000x1xf32>
    %mul3A = arith.constant 0.001953125 : f32
    %mul3A_2 = vector.broadcast %mul3A : f32 to vector<1000x1xf32>
    %mul3A_3 = arith.mulf %get3A_1, %mul3A_2 : vector<1000x1xf32>
    %add3A = arith.constant 5.000000e-01 : f32
    %add3A_4 = vector.broadcast %add3A : f32 to vector<1000x1xf32>
    %add3A_5 = arith.addf %mul3A_3, %add3A_4 : vector<1000x1xf32>
    %floor3A = math.floor %add3A_5 : vector<1000x1xf32>
    %get3A_6 = arith.constant 0 : index
    %get3A_7 = arith.constant 0 : index
    %get3A_8 = vector.load %arg6[%get3A_6, %get3A_7] : memref<1000x128xf32, #tpu.memory_space<vmem>>, vector<1000x1xf32>
    %mul3A_9 = arith.constant 0.001953125 : f32
    %mul3A_10 = vector.broadcast %mul3A_9 : f32 to vector<1000x1xf32>
    %mul3A_11 = arith.mulf %get3A_8, %mul3A_10 : vector<1000x1xf32>
    %add3A_12 = arith.constant 5.000000e-01 : f32
    %add3A_13 = vector.broadcast %add3A_12 : f32 to vector<1000x1xf32>
    %add3A_14 = arith.addf %mul3A_11, %add3A_13 : vector<1000x1xf32>
    %floor3A_15 = math.floor %add3A_14 : vector<1000x1xf32>
    %get3A_16 = arith.constant 0 : index
    %get3A_17 = arith.constant 0 : index
    %get3A_18 = vector.load %arg5[%get3A_16, %get3A_17] : memref<1000x128xf32, #tpu.memory_space<vmem>>, vector<1000x128xf32>
    %mul3A_19 = arith.constant 5.120000e+02 : f32
    %mul3A_20 = vector.broadcast %mul3A_19 : f32 to vector<1000x1xf32>
    %mul3A_21 = arith.mulf %floor3A, %mul3A_20 : vector<1000x1xf32>
    %sub3A = vector.broadcast %mul3A_21 : vector<1000x1xf32> to vector<1000x128xf32>
    %sub3A_22 = arith.subf %get3A_18, %sub3A : vector<1000x128xf32>
    %get3A_23 = arith.constant 0 : index
    %get3A_24 = arith.constant 0 : index
    %get3A_25 = vector.load %arg6[%get3A_23, %get3A_24] : memref<1000x128xf32, #tpu.memory_space<vmem>>, vector<1000x128xf32>
    %mul3A_26 = arith.constant 5.120000e+02 : f32
    %mul3A_27 = vector.broadcast %mul3A_26 : f32 to vector<1000x1xf32>
    %mul3A_28 = arith.mulf %floor3A_15, %mul3A_27 : vector<1000x1xf32>
    %sub3A_29 = vector.broadcast %mul3A_28 : vector<1000x1xf32> to vector<1000x128xf32>
    %sub3A_30 = arith.subf %get3A_25, %sub3A_29 : vector<1000x128xf32>
    %add3A_31 = arith.addf %sub3A_22, %sub3A_30 : vector<1000x128xf32>
    %add3A_32 = arith.addf %floor3A, %floor3A_15 : vector<1000x1xf32>
    %max3A = arith.constant 1.000000e+00 : f32
    %max3A_33 = vector.broadcast %max3A : f32 to vector<1000x1xf32>
    %max3A_34 = arith.maximumf %add3A_32, %max3A_33 : vector<1000x1xf32>
    %div3A = vector.broadcast %max3A_34 : vector<1000x1xf32> to vector<1000x128xf32>
    %div3A_35 = arith.divf %add3A_31, %div3A : vector<1000x128xf32>
    %get3A_36 = arith.constant 0 : index
    %get3A_37 = arith.constant 0 : index
    %get3A_38 = vector.load %arg1[%get3A_36, %get3A_37] : memref<1000x128xf32, #tpu.memory_space<vmem>>, vector<1000x128xf32>
    %get3A_39 = arith.constant 0 : index
    %get3A_40 = arith.constant 0 : index
    %get3A_41 = vector.load %arg2[%get3A_39, %get3A_40] : memref<128x128xf32, #tpu.memory_space<vmem>>, vector<128x128xf32>
    %dot_general3A = arith.constant dense<0.000000e+00> : vector<1000x128xf32>
    %dot_general3A_42 = tpu.matmul %get3A_38, %get3A_41, %dot_general3A {dimension_numbers = #tpu.dot_dimension_numbers<[1], [0], [0], [1], [0, 0, 1, 1], [], []>, transpose_lhs_hint = false} : vector<1000x128xf32>, vector<128x128xf32>, vector<1000x128xf32> -> vector<1000x128xf32>
    %get3A_43 = arith.constant 0 : index
    %get3A_44 = arith.constant 0 : index
    %get3A_45 = vector.load %arg3[%get3A_43, %get3A_44] : memref<128x128xf32, #tpu.memory_space<vmem>>, vector<128x128xf32>
    %dot_general3A_46 = arith.constant dense<0.000000e+00> : vector<1000x128xf32>
    %dot_general3A_47 = tpu.matmul %div3A_35, %get3A_45, %dot_general3A_46 {dimension_numbers = #tpu.dot_dimension_numbers<[1], [0], [0], [1], [0, 0, 1, 1], [], []>, transpose_lhs_hint = false} : vector<1000x128xf32>, vector<128x128xf32>, vector<1000x128xf32> -> vector<1000x128xf32>
    %add3A_48 = arith.addf %dot_general3A_42, %dot_general3A_47 : vector<1000x128xf32>
    %get3A_49 = arith.constant 0 : index
    %get3A_50 = arith.constant 0 : index
    %get3A_51 = vector.load %arg4[%get3A_49, %get3A_50] : memref<1x128xf32, #tpu.memory_space<vmem>>, vector<1x128xf32>
    %add3A_52 = vector.broadcast %get3A_51 : vector<1x128xf32> to vector<1000x128xf32>
    %add3A_53 = arith.addf %add3A_48, %add3A_52 : vector<1000x128xf32>
    %swap3A = arith.constant 0 : index
    %swap3A_54 = arith.constant 0 : index
    %swap3A_55 = vector.load %arg7[%swap3A, %swap3A_54] : memref<1000x128xf32, #tpu.memory_space<vmem>>, vector<1000x128xf32>
    tpu.vector_store %arg7[%swap3A, %swap3A_54], %add3A_53 {strides = array<i32>} : memref<1000x128xf32, #tpu.memory_space<vmem>>, vector<1000x128xf32>,
    return
  }
  func.func @transform_0(%arg0: i32) -> (i32, i32) {
    %c0_i32 = arith.constant 0 : i32
    %c0_i32_0 = arith.constant 0 : i32
    return %arg0, %c0_i32 : i32, i32
  }
  func.func @transform_1(%arg0: i32) -> (i32, i32) {
    %c0_i32 = arith.constant 0 : i32
    %c0_i32_0 = arith.constant 0 : i32
    %c0_i32_1 = arith.constant 0 : i32
    return %c0_i32, %c0_i32_0 : i32, i32
  }
  func.func @transform_2(%arg0: i32) -> (i32, i32) {
    %c0_i32 = arith.constant 0 : i32
    %c0_i32_0 = arith.constant 0 : i32
    %c0_i32_1 = arith.constant 0 : i32
    return %c0_i32, %c0_i32_0 : i32, i32
  }
  func.func @transform_3(%arg0: i32) -> (i32, i32) {
    %c0_i32 = arith.constant 0 : i32
    %c0_i32_0 = arith.constant 0 : i32
    %c0_i32_1 = arith.constant 0 : i32
    return %c0_i32, %c0_i32_0 : i32, i32
  }
  func.func @transform_4(%arg0: i32) -> (i32, i32) {
    %c0_i32 = arith.constant 0 : i32
    %c0_i32_0 = arith.constant 0 : i32
    return %arg0, %c0_i32 : i32, i32
  }
  func.func @transform_5(%arg0: i32) -> (i32, i32) {
    %c0_i32 = arith.constant 0 : i32
    %c0_i32_0 = arith.constant 0 : i32
    return %arg0, %c0_i32 : i32, i32
  }
  func.func @transform_6(%arg0: i32) -> (i32, i32) {
    %c0_i32 = arith.constant 0 : i32
    %c0_i32_0 = arith.constant 0 : i32
    return %arg0, %c0_i32 : i32, i32
  }
}

</mosaic_0001>

<sc_bundles>
// kernel: kernel.4.cloned.1.call-start
scs
__scs_entry_jumppad:
0x0: {  	(pc) =	sbr.rel $0x88, $3  }
0x1: {  	(tag) =	ssettag $0x0;
	lr =	simm.s32 $0x1  }
0x2: {  	[smem:$0x3F9C] =	sst lr;
	_ =	strace $0xD0000000  }
0x3: {  	_ = 	snop  }
0x4: {  	_ = 	snop  }
0x5: {  	_ = 	snop  }
0x6: {  	_ = 	snop  }
0x7: {  	_ = 	snop  }
__scs_overlays_trampoline_lowered:
0x8: {  	[smem:$0x3FAB] =	sst s0  }
0x9: {  	[smem:$0x3FAC] =	sst s1  }
0xa: {  	[smem:$0x3FAD] =	sst s2  }
0xb: {  	[smem:$0x3FAE] =	sst s3  }
0xc: {  	[smem:$0x3FAF] =	sst s4  }
0xd: {  	[smem:$0x3FB0] =	sst s5  }
0xe: {  	[smem:$0x3FB1] =	sst s6  }
0xf: {  	[smem:$0x3FB2] =	sst s7  }
0x10: {  	[smem:$0x3FB3] =	sst s8  }
0x11: {  	[smem:$0x3FB4] =	sst s9;
	s0 =	simm.s32 @!p0 $0x0  }
0x12: {  	s1 =	sld [smem:$0x3F9A];
	s0 =	simm.s32 @p0 $0x1  }
0x13: {  	[smem:$0x3FB5] =	sst s0;
	s0 =	simm.s32 @!p1 $0x0  }
0x14: {  	s2 =	sld [smem:$0x3F99];
	s0 =	simm.s32 @p1 $0x1  }
0x15: {  	[smem:$0x3FB6] =	sst s0;
	s0 =	simm.s32 @!p2 $0x0  }
0x16: {  	s3 =	sld [smem:$0x3FDB];
	s0 =	simm.s32 @p2 $0x1  }
0x17: {  	s4 =	simm.s32 $0x1BF5;
	[smem:$0x3FB8] =	sst s0  }
0x18: {  	s0 =	sld [smem:$0x3F9B];
	_ =	swait.ge [sflag:s4], $0x0  }
0x19: {  	s7 =	sld [smem:$0x3F9C]  }
0x1a: {  	s8 =	sadd.s32 $0xFFFFE003, lr  }
0x1b: {  	s9 =	sadd.s32 $0xFFFFFEF7, lr;
	s5 =	simm.s32 $0xFFFFFFFF;
	p2 =	slt.u32 s8, $0xFFFFF086  }
0x1c: {  	p1 =	slt.u32 s9, $0xF7A;
	s5 =	simm.s32 @!p2 $0x0  }
0x1d: {  	s5 =	simm.s32 @p1 $0x1;
	p0 =	seq.s32 s7, s2  }
0x1e: {  	s7 =	smul.u32 @!p0 $0xF7A, s2;
	p2 =	seq.s32 @!p0 s5, $0x0  }
0x1f: {  	s9 =	smul.u32 $0xF7A, s1;
	s8 =	simm.s32 @!p0 $0x1BF5;
	p2 =	por !p2, p0  }
0x20: {  	[sflag:s8] =	ssyncset.s32 @!p0 $0xFFFFF086;
	s6 =	sadd.s32 @!p0 s3, s7;
	s7 =	simm.s32 @!p0 $0x108  }
0x21: {  	s3 =	sadd.s32 s3, s9;
	s6 =	sadd.s32 @!p0 $0x88, s6;
	s7 =	simm.s32 @p2 $0x1082  }
0x22: {  	[simem:s7], [sflag:s8] =	dma.local @!p0 [hbm:s6], $0xF7A  }
0x23: {  	s9 =	sor.u32 $0xD0000000, s2;
	s6 =	simm.s32 $0x108;
	_ =	swait.ge @!p0 [sflag:s8], $0x0  }
0x24: {  	s3 =	sadd.s32 $0x88, s3;
	s6 =	simm.s32 @!p1 $0x1082;
	[sflag:s4] =	ssyncset.s32 $0xFFFFF086  }
0x25: {  	[simem:s6], [sflag:s4] =	dma.local [hbm:s3], $0xF7A  }
0x26: {  	[smem:$0x3F9C] =	sst s1;
	(tag) =	ssettag s2;
	_ =	strace s9  }
0x27: {  	s1 =	sld [smem:$0x3FAC]  }
0x28: {  	s2 =	sld [smem:$0x3FAD]  }
0x29: {  	s4 =	sld [smem:$0x3FAF]  }
0x2a: {  	p0 =	seq.s32 s5, $0x0;
	s5 =	sld [smem:$0x3FB0]  }
0x2b: {  	s6 =	sld [smem:$0x3FB1]  }
0x2c: {  	s7 =	sld [smem:$0x3FB2]  }
0x2d: {  	s3 =	simm.s32 $0x108;
	s8 =	sld [smem:$0x3FB3]  }
0x2e: {  	s3 =	simm.s32 @!p0 $0x1082;
	s9 =	sld [smem:$0x3FB4]  }
0x2f: {  	lr =	sadd.s32 s0, s3;
	s0 =	sld [smem:$0x3FAB]  }
0x30: {  	s3 =	sld [smem:$0x3FAE]  }
0x31: {  	[smem:$0x3FB7] =	sst s10  }
0x32: {  	s10 =	sld [smem:$0x3FB5];
	_ =	sdelay $0x3  }
0x33: {  	p0 =	seq.s32 s10, $0x1;
	s10 =	sld [smem:$0x3FB7];
	_ =	sdelay $0x3  }
0x34: {  	[smem:$0x3FB7] =	sst s10  }
0x35: {  	s10 =	sld [smem:$0x3FB6];
	_ =	sdelay $0x3  }
0x36: {  	p1 =	seq.s32 s10, $0x1;
	s10 =	sld [smem:$0x3FB7];
	_ =	sdelay $0x3  }
0x37: {  	[smem:$0x3FB7] =	sst s10  }
0x38: {  	s10 =	sld [smem:$0x3FB8]  }
0x39: {  	_ = 	snop;
	(pc) =	sbr.ind lr, $3  }
0x3a: {  	_ = 	snop  }
0x3b: {  	_ = 	snop  }
0x3c: {  	p2 =	seq.s32 s10, $0x1;
	s10 =	sld [smem:$0x3FB7]  }
0x3d: {  	_ =	shalt  }
0x3e: {  	_ =	shalt  }
0x3f: {  	_ =	shalt  }
0x40: {  	_ =	shalt  }
0x41: {  	_ =	shalt  }
0x42: {  	_ =	shalt  }
0x43: {  	_ =	shalt  }
0x44: {  	_ =	shalt  }
0x45: {  	_ =	shalt  }
0x46: {  	_ =	shalt  }
0x47: {  	_ =	shalt  }
0x48: {  	_ =	shalt  }
0x49: {  	_ =	shalt  }
0x4a: {  	_ =	shalt  }
0x4b: {  	_ =	shalt  }
0x4c: {  	_ =	shalt  }
0x4d: {  	_ =	shalt  }
0x4e: {  	_ =	shalt  }
0x4f: {  	_ =	shalt  }
0x50: {  	_ =	shalt  }
0x51: {  	_ =	shalt  }
0x52: {  	_ =	shalt  }
0x53: {  	_ =	shalt  }
0x54: {  	_ =	shalt  }
0x55: {  	_ =	shalt  }
0x56: {  	_ =	shalt  }
0x57: {  	_ =	shalt  }
0x58: {  	_ =	shalt  }
0x59: {  	_ =	shalt  }
0x5a: {  	_ =	shalt  }
0x5b: {  	_ =	shalt  }
0x5c: {  	_ =	shalt  }
0x5d: {  	_ =	shalt  }
0x5e: {  	_ =	shalt  }
0x5f: {  	_ =	shalt  }
0x60: {  	_ =	shalt  }
0x61: {  	_ =	shalt  }
0x62: {  	_ =	shalt  }
0x63: {  	_ =	shalt  }
0x64: {  	_ =	shalt  }
0x65: {  	_ =	shalt  }
0x66: {  	_ =	shalt  }
0x67: {  	_ =	shalt  }
0x68: {  	_ =	shalt  }
0x69: {  	_ =	shalt  }
0x6a: {  	_ =	shalt  }
0x6b: {  	_ =	shalt  }
0x6c: {  	_ =	shalt  }
0x6d: {  	_ =	shalt  }
0x6e: {  	_ =	shalt  }
0x6f: {  	_ =	shalt  }
0x70: {  	_ =	shalt  }
0x71: {  	_ =	shalt  }
0x72: {  	_ =	shalt  }
0x73: {  	_ =	shalt  }
0x74: {  	_ =	shalt  }
0x75: {  	_ =	shalt  }
0x76: {  	_ =	shalt  }
0x77: {  	_ =	shalt  }
0x78: {  	_ =	shalt  }
0x79: {  	_ =	shalt  }
0x7a: {  	_ =	shalt  }
0x7b: {  	_ =	shalt  }
0x7c: {  	_ =	shalt  }
0x7d: {  	_ =	shalt  }
0x7e: {  	_ =	shalt  }
0x7f: {  	_ =	shalt  }
0x80: {  	_ =	shalt  }
0x81: {  	_ =	shalt  }
0x82: {  	_ =	shalt  }
0x83: {  	_ =	shalt  }
0x84: {  	_ =	shalt  }
0x85: {  	_ =	shalt  }
0x86: {  	_ =	shalt  }
0x87: {  	_ =	shalt  }
.Lfunc_end0:
.L_simem_size_0:
called_computation_lowered:
.L_overlay_start_0:
0x88: {  	s2 =	sld [smem:$0x3FD9]  }
0x89: {  	s3 =	sld [smem:$0x3FFE];
	_ =	sdelay $0x1  }
0x8a: {  	s1 =	srdreg.scid  }
0x8b: {  	s0 =	sand.u32 $0x1, s1  }
0x8c: {  	s17 =	sshll.u32 s0, $0xA;
	s2 =	sadd.s32 s3, s2  }
0x8d: {  	s2 =	sadd.s32 s2, s17  }
0x8e: {  	[smem:$0x3FC3] =	sst s2  }
0x8f: {  	_ = 	snop  }
0x90: {  	s2 =	sld [smem:$0x3FD0];
	(tm) =	ssettm $0x1  }
0x91: {  	s18 =	sld [smem:$0x3FFB];
	_ =	sdelay $0x3  }
0x92: {  	_ =	strace s18  }
0x93: {  	s3 =	sld [smem:$0x3FFC];
	_ =	sdelay $0x3  }
0x94: {  	_ =	strace s3  }
0x95: {  	s3 =	sld [smem:$0x3FFD];
	_ =	sdelay $0x3  }
0x96: {  	_ =	strace s3  }
0x97: {  	_ =	strace $0x8FFFFFFF  }
0x98: {  	s19 =	sld [smem:$0x3FDB];
	_ =	sdelay $0x1  }
0x99: {  	s4 =	simm.s32 $_scs_section_size  }
0x9a: {  	s5 =	simm.s32 $_size__tile_overlayer_lowered;
	s6 =	simm.s32 $_tile_overlayer_lowered  }
0x9b: {  	s22 =	simm.s32 $0x1BFF;
	s21 =	sshll.u32 s6, $0x1;
	s3 =	sadd.s32 s4, s19  }
0x9c: {  	s7 =	simm.s32 $0x0;
	s20 =	sshll.u32 s5, $0x1;
	s5 =	sadd.s32 s21, s3  }
0x9d: {  	[timem:s7], [sflag:s22] =	dma.local [hbm:s5], s20  }
0x9e: {  	_ =	swait.ge [sflag:s22], s20  }
0x9f: {  	s4 =	ssub.s32 $0x0, s20;
	[sflag:s22] =	ssyncset.done $0x0  }
0xa0: {  	[sflag:s22] =	ssyncadd.s32 s4;
	_ =	sdelay $0x1  }
0xa1: {  	s23 =	simm.s32 $0x1B8B  }
0xa2: {  	_ =	swait.ge [sflag:s23], $0x1  }
0xa3: {  	[sflag:s23] =	ssyncset.done $0x0  }
0xa4: {  	s25 =	simm.s32 $0x1B8E;
	s24 =	sld [smem:$0x3FFE];
	[sflag:s23] =	ssyncadd.s32 $0xFFFFFFFF  }
0xa5: {  	s26 =	simm.s32 $execute0_lowered;
	[smem:$0x3FD2] =	sst s25  }
0xa6: {  	s5 =	sshll.u32 s26, $0x1;
	_ =	strace $0x80000046;
	[dreg:$0x1] =	wrdreg $0xFFFFFFFF  }
0xa7: {  	s28 =	simm.s32 $_size_execute0_lowered;
	s3 =	sadd.s32 s3, s5;
	[dreg:$0x0] =	wrdreg $0x0  }
0xa8: {  	s5 =	sshll.u32 s28, $0x1;
	[dreg:$0x2] =	wrdreg s3  }
0xa9: {  	[dreg:$0x3] =	wrdreg s5  }
0xaa: {  	[dreg:$0x4] =	wrdreg $0xC0  }
0xab: {  	_ =	task [dreg:s7], $0x5FFFF  }
0xac: {  	[dreg:$0x1] =	wrdreg $0xFFFFFFFF  }
0xad: {  	[dreg:$0x0] =	wrdreg $0x60  }
0xae: {  	[dreg:$0x2] =	wrdreg s2  }
0xaf: {  	[dreg:$0x3] =	wrdreg s24  }
0xb0: {  	[dreg:$0x4] =	wrdreg $0xB7800  }
0xb1: {  	[dreg:$0x5] =	wrdreg $0x9  }
0xb2: {  	_ =	task.clear_ibuf [dreg:s7], $0x6FFFF;
	_ =	strace $0x90000046  }
0xb3: {  	s29 =	simm.s32 $0x9;
	_ =	strace $0x80000048  }
0xb4: {  	_ =	swait.ge [sflag:s29], $0x1  }
0xb5: {  	[sflag:s29] =	ssyncadd.s32 $0xFFFFFFFF  }
0xb6: {  	_ =	strace $0x90000048  }
0xb7: {  	_ =	sfence  }
0xb8: {  	s30 =	sld [smem:$0x0];
	_ =	sdelay $0x2  }
0xb9: {  	s31 =	sshll.u32 s1, $0xD;
	s1 =	sshrl.u32 s1, $0x2  }
0xba: {  	s3 =	sand.u32 $0x4000, s31;
	s1 =	sadd.s32 s1, s30  }
0xbb: {  	s0 =	sor.u32 s3, s0;
	s1 =	sshll.u32 s1, $0x11  }
0xbc: {  	s0 =	sor.u32 s1, s0  }
0xbd: {  	s0 =	sadd.s32 $0x8F2B, s0  }
0xbe: {  	[sflag:s0] =	ssyncadd.remote.s32 $0x1  }
0xbf: {  	_ =	sfence.sel $0xFFFF  }
0xc0: {  	[dreg:$0x0] =	wrdreg $0xFFFFFFFF;
	(pc) =	sbr.abs _section_cstart, $3  }
0xc1: {  	[dreg:$0x1] =	wrdreg $0xFFFFFFFF  }
0xc2: {  	_ =	task.clear_ibuf [dreg:s7], $0x2FFFF;
	_ =	strace $0x9FFFFFFF  }
0xc3: {  	(tm) =	ssettm $0x7FFFFFFF  }
tec
execute0_lowered:
.L_overlay_start_1:
0x0: {  	(tag) =	ssettag $0x1  }
0x1: {  	s0 =	srdreg.scid  }
0x2: {  	s19 =	stileid.u32;
	s5 =	rddreg [dreg:$0x1];
	s1 =	simm.s32 $0x0  }
0x3: {  	s4 =	sand.u32 $0x1, s0;
	[smem:$0x7FF] =	sst s1;
	s6 =	smul.u32 $0x280, s19  }
0x4: {  	s7 =	smul.u32 $0x14000, s19;
	s8 =	sadd.s32 $0x1A400, s5;
	s0 =	sshll.u32 s4, $0x4  }
0x5: {  	s16 =	ssub.s32 $0x2, s4;
	s4 =	smul.u32 $0x140000, s4;
	s0 =	sor.u32 s19, s0  }
0x6: {  	s9 =	sshrl.u32 s16, $0x1;
	s17 =	sshrl.u32 s7, $0x3;
	s10 =	sor.u32 $0x50, s6  }
0x7: {  	s11 =	sadd.s32 $0xA0, s6;
	s21 =	sadd.s32 $0xF0, s6;
	s13 =	sadd.s32 $0x140, s6  }
0x8: {  	s14 =	sadd.s32 $0x190, s6;
	s24 =	sadd.s32 $0x1E0, s6;
	s6 =	sadd.s32 $0x230, s6  }
0x9: {  	s2 =	smul.u32 $0x4E2, s0;
	s0 =	sshll.u32 s0, $0xB;
	s18 =	sshll.u32 s10, $0x4  }
0xa: {  	s10 =	sshll.u32 s10, $0x7;
	s20 =	sshll.u32 s11, $0x4;
	s11 =	sshll.u32 s11, $0x7  }
0xb: {  	s12 =	sshll.u32 s21, $0x7;
	s22 =	sshll.u32 s13, $0x4;
	s23 =	sshll.u32 s14, $0x4  }
0xc: {  	s29 =	sshll.u32 s14, $0x7;
	s25 =	sshll.u32 s24, $0x4;
	s26 =	sshll.u32 s6, $0x4  }
0xd: {  	s6 =	sshll.u32 s6, $0x7;
	s7 =	sadd.s32 s7, s4;
	s3 =	sadd.s32 s0, s5  }
0xe: {  	s0 =	ssub.s32 s16, s9;
	s9 =	sadd.s32 s8, s17;
	s16 =	sshll.u32 s13, $0x7  }
0xf: {  	s13 =	sadd.s32 s8, s25;
	s7 =	sshrl.u32 s7, $0x3;
	s14 =	sadd.s32 s4, s11  }
0x10: {  	s25 =	smul.u32 $0x50000, s19;
	s2 =	sadd.s32 s2, s5;
	[dreg:$0x4] =	wrdreg s9  }
0x11: {  	s5 =	sadd.s32 $0x42400, s5;
	s9 =	sadd.s32 s8, s18;
	[dreg:$0xa] =	wrdreg s13  }
0x12: {  	s13 =	sadd.s32 s4, s10;
	s17 =	sshrl.u32 s14, $0x3;
	[dreg:$0x5] =	wrdreg s9  }
0x13: {  	s9 =	sadd.s32 s8, s20;
	s18 =	sadd.s32 s5, s17;
	s17 =	rddreg [dreg:$0x0]  }
0x14: {  	s14 =	sadd.s32 s4, s29;
	s7 =	sadd.s32 s5, s7;
	[dreg:$0x6] =	wrdreg s9  }
0x15: {  	s15 =	sshrl.u32 s13, $0x3;
	s20 =	sadd.s32 s4, s12;
	[dreg:$0xc] =	wrdreg s7  }
0x16: {  	s9 =	sshll.u32 s21, $0x4;
	s7 =	sadd.s32 s5, s15;
	[dreg:$0xe] =	wrdreg s18  }
0x17: {  	s21 =	sadd.s32 s4, s16;
	s18 =	rddreg [dreg:$0x2];
	s9 =	sadd.s32 s8, s9  }
0x18: {  	[dreg:$0xd] =	wrdreg s7;
	s7 =	sshrl.u32 s20, $0x3;
	s28 =	sadd.s32 s16, s18  }
0x19: {  	s29 =	sadd.s32 s29, s18;
	s31 =	sadd.s32 s6, s18;
	s16 =	smax.u32 s0, $0x1  }
0x1a: {  	s0 =	simm.s32 $0x6780;
	[dreg:$0x7] =	wrdreg s9;
	s9 =	sadd.s32 s8, s22  }
0x1b: {  	s7 =	sadd.s32 s5, s7;
	s22 =	sshrl.u32 s21, $0x3;
	s21 =	sadd.s32 $0x600, s2  }
0x1c: {  	s2 =	simm.s32 $0x8F80;
	[dreg:$0x8] =	wrdreg s9;
	s9 =	sadd.s32 s8, s23  }
0x1d: {  	s8 =	sadd.s32 s8, s26;
	[dreg:$0xf] =	wrdreg s7;
	s23 =	sshrl.u32 s14, $0x3  }
0x1e: {  	s7 =	sadd.s32 s5, s22;
	s26 =	sshrl.u32 s25, $0x2;
	[dreg:$0x9] =	wrdreg s9  }
0x1f: {  	s22 =	sadd.s32 $0xA400, s3;
	s25 =	sadd.s32 s11, s18;
	[dreg:$0xb] =	wrdreg s8  }
0x20: {  	s3 =	simm.s32 $0x3;
	s9 =	sshll.u32 s24, $0x7;
	[dreg:$0x10] =	wrdreg s7  }
0x21: {  	s15 =	sadd.s32 s5, s23;
	s23 =	sadd.s32 s26, s18;
	s26 =	sadd.s32 s12, s18  }
0x22: {  	s8 =	simm.s32 $0x50;
	s24 =	sadd.s32 s4, s9;
	s4 =	sadd.s32 s4, s6  }
0x23: {  	_ =	strace $0x80000047;
	s30 =	sadd.s32 s9, s18;
	s6 =	simm.s32 $0x1  }
0x24: {  	s9 =	simm.s32 $0x0;
	s7 =	sshrl.u32 s24, $0x3;
	s4 =	sshrl.u32 s4, $0x3  }
0x25: {  	s24 =	sadd.s32 s10, s18;
	s19 =	sadd.s32 s5, s7;
	s20 =	sadd.s32 s5, s4  }
0x26: {  	s4 =	simm.s32 $0x5;
	s5 =	simm.s32 $0x4;
	s7 =	simm.s32 $0x2  }
.LBB2_1:
0x27: {  	[tilespmem:s1], [sflag:$0x1] =	stream.linear.gather [hbm4b:s21+s1], $0x2710, $0x38;
	[tilespmem:$0x1F780] =	vst v63  }
0x28: {  	s10 =	simm.s32 $0x2780  }
0x29: {  	[tilespmem:s10], [sflag:$0x2] =	stream.linear.gather [hbm4b:s22+s1], $0x3E80, $0x38;
	[tilespmem:$0x1F780] =	vst v63  }
0x2a: {  	s11 =	rddreg [dreg:$0x4]  }
0x2b: {  	[tilespmem:s0], [sflag:$0x3] =	stream.linear.gather [hbm4b:s11+s1], $0x2800, $0x38;
	[tilespmem:$0x1F780] =	vst v63  }
0x2c: {  	s12 =	rddreg [dreg:$0x5]  }
0x2d: {  	[tilespmem:s2], [sflag:$0x4] =	stream.linear.gather [hbm4b:s12+s1], $0x2800, $0x38;
	[tilespmem:$0x1F780] =	vst v63  }
0x2e: {  	_ =	swait.ge [sflag:s3], $0x2800  }
0x2f: {  	[sflag:s3] =	ssyncset.done $0x0  }
0x30: {  	[sflag:s3] =	ssyncadd.s32 $0xFFFFD800  }
0x31: {  	[spmem:s23] =	stream.linear.scatter [tilespmem:s0], [sflag:$0x5], $0x2800, $0x38;
	[tilespmem:$0x1F780] =	vst v63  }
0x32: {  	_ =	swait.ge [sflag:s4], $0x2800  }
0x33: {  	[sflag:s4] =	ssyncset.done $0x0  }
0x34: {  	s13 =	rddreg [dreg:$0x6];
	[sflag:s4] =	ssyncadd.s32 $0xFFFFD800  }
0x35: {  	[tilespmem:s0], [sflag:$0x3] =	stream.linear.gather [hbm4b:s13+s1], $0x2800, $0x38;
	[tilespmem:$0x1F780] =	vst v63  }
0x36: {  	_ =	swait.ge [sflag:s5], $0x2800  }
0x37: {  	[sflag:s5] =	ssyncset.done $0x0  }
0x38: {  	[sflag:s5] =	ssyncadd.s32 $0xFFFFD800  }
0x39: {  	[spmem:s24] =	stream.linear.scatter [tilespmem:s2], [sflag:$0x5], $0x2800, $0x38;
	[tilespmem:$0x1F780] =	vst v63  }
0x3a: {  	_ =	swait.ge [sflag:s4], $0x2800  }
0x3b: {  	[sflag:s4] =	ssyncset.done $0x0  }
0x3c: {  	s14 =	rddreg [dreg:$0x7];
	[sflag:s4] =	ssyncadd.s32 $0xFFFFD800  }
0x3d: {  	[tilespmem:s2], [sflag:$0x4] =	stream.linear.gather [hbm4b:s14+s1], $0x2800, $0x38;
	[tilespmem:$0x1F780] =	vst v63  }
0x3e: {  	_ =	swait.ge [sflag:s3], $0x2800  }
0x3f: {  	[sflag:s3] =	ssyncset.done $0x0  }
0x40: {  	[sflag:s3] =	ssyncadd.s32 $0xFFFFD800  }
0x41: {  	[spmem:s25] =	stream.linear.scatter [tilespmem:s0], [sflag:$0x5], $0x2800, $0x38;
	[tilespmem:$0x1F780] =	vst v63  }
0x42: {  	_ =	swait.ge [sflag:s4], $0x2800  }
0x43: {  	[sflag:s4] =	ssyncset.done $0x0  }
0x44: {  	s11 =	rddreg [dreg:$0x8];
	[sflag:s4] =	ssyncadd.s32 $0xFFFFD800  }
0x45: {  	[tilespmem:s0], [sflag:$0x3] =	stream.linear.gather [hbm4b:s11+s1], $0x2800, $0x38;
	[tilespmem:$0x1F780] =	vst v63  }
0x46: {  	_ =	swait.ge [sflag:s5], $0x2800  }
0x47: {  	[sflag:s5] =	ssyncset.done $0x0  }
0x48: {  	[sflag:s5] =	ssyncadd.s32 $0xFFFFD800  }
0x49: {  	[spmem:s26] =	stream.linear.scatter [tilespmem:s2], [sflag:$0x5], $0x2800, $0x38;
	[tilespmem:$0x1F780] =	vst v63  }
0x4a: {  	_ =	swait.ge [sflag:s4], $0x2800  }
0x4b: {  	[sflag:s4] =	ssyncset.done $0x0  }
0x4c: {  	s12 =	rddreg [dreg:$0x9];
	[sflag:s4] =	ssyncadd.s32 $0xFFFFD800  }
0x4d: {  	[tilespmem:s2], [sflag:$0x4] =	stream.linear.gather [hbm4b:s12+s1], $0x2800, $0x38;
	[tilespmem:$0x1F780] =	vst v63  }
0x4e: {  	_ =	swait.ge [sflag:s3], $0x2800  }
0x4f: {  	[sflag:s3] =	ssyncset.done $0x0  }
0x50: {  	[sflag:s3] =	ssyncadd.s32 $0xFFFFD800  }
0x51: {  	[spmem:s28] =	stream.linear.scatter [tilespmem:s0], [sflag:$0x5], $0x2800, $0x38;
	[tilespmem:$0x1F780] =	vst v63  }
0x52: {  	_ =	swait.ge [sflag:s4], $0x2800  }
0x53: {  	[sflag:s4] =	ssyncset.done $0x0  }
0x54: {  	s13 =	rddreg [dreg:$0xa];
	[sflag:s4] =	ssyncadd.s32 $0xFFFFD800  }
0x55: {  	[tilespmem:s0], [sflag:$0x3] =	stream.linear.gather [hbm4b:s13+s1], $0x2800, $0x38;
	[tilespmem:$0x1F780] =	vst v63  }
0x56: {  	_ =	swait.ge [sflag:s5], $0x2800  }
0x57: {  	[sflag:s5] =	ssyncset.done $0x0  }
0x58: {  	[sflag:s5] =	ssyncadd.s32 $0xFFFFD800  }
0x59: {  	[spmem:s29] =	stream.linear.scatter [tilespmem:s2], [sflag:$0x5], $0x2800, $0x38;
	[tilespmem:$0x1F780] =	vst v63  }
0x5a: {  	_ =	swait.ge [sflag:s4], $0x2800  }
0x5b: {  	[sflag:s4] =	ssyncset.done $0x0  }
0x5c: {  	s14 =	rddreg [dreg:$0xb];
	[sflag:s4] =	ssyncadd.s32 $0xFFFFD800  }
0x5d: {  	[tilespmem:s2], [sflag:$0x4] =	stream.linear.gather [hbm4b:s14+s1], $0x2800, $0x38;
	[tilespmem:$0x1F780] =	vst v63  }
0x5e: {  	_ =	swait.ge [sflag:s3], $0x2800  }
0x5f: {  	[sflag:s3] =	ssyncset.done $0x0  }
0x60: {  	[sflag:s3] =	ssyncadd.s32 $0xFFFFD800  }
0x61: {  	[spmem:s30] =	stream.linear.scatter [tilespmem:s0], [sflag:$0x5], $0x2800, $0x38;
	[tilespmem:$0x1F780] =	vst v63  }
0x62: {  	_ =	swait.ge [sflag:s4], $0x2800  }
0x63: {  	[sflag:s4] =	ssyncset.done $0x0  }
0x64: {  	[sflag:s4] =	ssyncadd.s32 $0xFFFFD800  }
0x65: {  	_ =	swait.ge [sflag:s5], $0x2800  }
0x66: {  	[sflag:s5] =	ssyncset.done $0x0  }
0x67: {  	[sflag:s5] =	ssyncadd.s32 $0xFFFFD800  }
0x68: {  	[spmem:s31] =	stream.linear.scatter [tilespmem:s2], [sflag:$0x5], $0x2800, $0x38;
	[tilespmem:$0x1F780] =	vst v63  }
0x69: {  	_ =	swait.ge [sflag:s4], $0x2800  }
0x6a: {  	[sflag:s4] =	ssyncset.done $0x0  }
0x6b: {  	[sflag:s4] =	ssyncadd.s32 $0xFFFFD800  }
0x6c: {  	_ =	swait.ge [sflag:s6], $0x2710  }
0x6d: {  	[sflag:s6] =	ssyncset.done $0x0  }
0x6e: {  	[sflag:s6] =	ssyncadd.s32 $0xFFFFD8F0  }
0x6f: {  	_ =	swait.ge [sflag:s7], $0x3E80  }
0x70: {  	[sflag:s7] =	ssyncset.done $0x0  }
0x71: {  	[sflag:s7] =	ssyncadd.s32 $0xFFFFC180  }
0x72: {  	[bflag:$0x0] =	sbarrier.arrive $0xFFFF  }
0x73: {  	[tilespmem:s0], [sflag:$0x1] =	stream.indirect.gather [hbm4b:s17+s8], $0x80, s1, s8, $0xb8;
	[tilespmem:$0x1F780] =	vst v63  }
0x74: {  	s11 =	simm.s32 $0x50  }
0x75: {  	[tilespmem:s2], [sflag:$0x2] =	stream.indirect.gather [hbm4b:s17+s8], $0x80, s11, s8, $0xb8;
	[tilespmem:$0x1F780] =	vst v63  }
0x76: {  	_ =	swait.ge [sflag:s6], $0x2800  }
0x77: {  	[sflag:s6] =	ssyncset.done $0x0  }
0x78: {  	s12 =	simm.s32 $0x2780;
	[sflag:s6] =	ssyncadd.s32 $0xFFFFD800  }
0x79: {  	[spmem:s18] =	stream.indirect.scatter.add.f32 [tilespmem:s0], [sflag:$0x5], $0x80, s12, s8, $0xb8;
	[tilespmem:$0x1F780] =	vst v63  }
0x7a: {  	_ =	swait.ge [sflag:s4], $0x2800  }
0x7b: {  	[sflag:s4] =	ssyncset.done $0x0  }
0x7c: {  	s13 =	simm.s32 $0xA0;
	[sflag:s4] =	ssyncadd.s32 $0xFFFFD800  }
0x7d: {  	[tilespmem:s0], [sflag:$0x1] =	stream.indirect.gather [hbm4b:s17+s8], $0x80, s13, s8, $0xb8;
	[tilespmem:$0x1F780] =	vst v63  }
0x7e: {  	_ =	swait.ge [sflag:s7], $0x2800  }
0x7f: {  	[sflag:s7] =	ssyncset.done $0x0  }
0x80: {  	s14 =	simm.s32 $0x2800;
	[sflag:s7] =	ssyncadd.s32 $0xFFFFD800  }
0x81: {  	[spmem:s18] =	stream.indirect.scatter.add.f32 [tilespmem:s2], [sflag:$0x5], $0x80, s14, s8, $0xb8;
	[tilespmem:$0x1F780] =	vst v63  }
0x82: {  	s10 =	simm.s32 $0x140;
	_ =	swait.ge [sflag:s4], $0x2800  }
0x83: {  	s11 =	simm.s32 $0x400;
	s12 =	simm.s32 $0x800;
	[sflag:s4] =	ssyncset.done $0x0  }
.LBB2_2:
0x84: {  	p0 =	sne.s32 s12, $0xF400;
	s13 =	sadd.s32 $0xFFFFFFB0, s10;
	[sflag:s4] =	ssyncadd.s32 $0xFFFFD800  }
0x85: {  	[tilespmem:s2], [sflag:$0x2] =	stream.indirect.gather [hbm4b:s17+s8], $0x80, s13, s8, $0xb8;
	[tilespmem:$0x1F780] =	vst v63  }
0x86: {  	s13 =	smov.u32 s12;
	s12 =	sadd.s32 $0x400, s12;
	_ =	swait.ge [sflag:s6], $0x2800  }
0x87: {  	s14 =	sshra.s32 s11, $0x2;
	s11 =	smov.u32 s13;
	[sflag:s6] =	ssyncset.done $0x0  }
0x88: {  	s13 =	sadd.s32 $0x2780, s14;
	[sflag:s6] =	ssyncadd.s32 $0xFFFFD800  }
0x89: {  	[spmem:s18] =	stream.indirect.scatter.add.f32 [tilespmem:s0], [sflag:$0x5], $0x80, s13, s8, $0xb8;
	[tilespmem:$0x1F780] =	vst v63  }
0x8a: {  	_ =	swait.ge [sflag:s4], $0x2800  }
0x8b: {  	[sflag:s4] =	ssyncset.done $0x0  }
0x8c: {  	[sflag:s4] =	ssyncadd.s32 $0xFFFFD800  }
0x8d: {  	[tilespmem:s0], [sflag:$0x1] =	stream.indirect.gather [hbm4b:s17+s8], $0x80, s10, s8, $0xb8;
	[tilespmem:$0x1F780] =	vst v63  }
0x8e: {  	_ =	swait.ge [sflag:s7], $0x2800  }
.Ltmp0:
0x8f: {  	[sflag:s7] =	ssyncset.done $0x0;
	(pc) =	sbr.rel @p0 .LBB2_2-.Ltmp0, $4  }
0x90: {  	s13 =	sadd.s32 $0x2800, s14;
	[sflag:s7] =	ssyncadd.s32 $0xFFFFD800  }
0x91: {  	[spmem:s18] =	stream.indirect.scatter.add.f32 [tilespmem:s2], [sflag:$0x5], $0x80, s13, s8, $0xb8;
	[tilespmem:$0x1F780] =	vst v63  }
0x92: {  	_ =	swait.ge [sflag:s4], $0x2800  }
0x93: {  	s10 =	sadd.s32 $0xA0, s10;
	[sflag:s4] =	ssyncset.done $0x0  }
0x94: {  	s12 =	sadd.s32 $0xFFFFFFB0, s10;
	[sflag:s4] =	ssyncadd.s32 $0xFFFFD800  }
0x95: {  	[tilespmem:s2], [sflag:$0x2] =	stream.indirect.gather [hbm4b:s17+s8], $0x80, s12, s8, $0xb8;
	[tilespmem:$0x1F780] =	vst v63  }
0x96: {  	_ =	swait.ge [sflag:s6], $0x2800  }
0x97: {  	s11 =	sshra.s32 s11, $0x2;
	[sflag:s6] =	ssyncset.done $0x0  }
0x98: {  	s14 =	sadd.s32 $0x2780, s11;
	[sflag:s6] =	ssyncadd.s32 $0xFFFFD800  }
0x99: {  	[spmem:s18] =	stream.indirect.scatter.add.f32 [tilespmem:s0], [sflag:$0x5], $0x80, s14, s8, $0xb8;
	[tilespmem:$0x1F780] =	vst v63  }
0x9a: {  	_ =	swait.ge [sflag:s4], $0x2800  }
0x9b: {  	[sflag:s4] =	ssyncset.done $0x0  }
0x9c: {  	[sflag:s4] =	ssyncadd.s32 $0xFFFFD800  }
0x9d: {  	[tilespmem:s0], [sflag:$0x1] =	stream.indirect.gather [hbm4b:s17+s8], $0x80, s10, s8, $0xb8;
	[tilespmem:$0x1F780] =	vst v63  }
0x9e: {  	_ =	swait.ge [sflag:s7], $0x2800  }
0x9f: {  	[sflag:s7] =	ssyncset.done $0x0  }
0xa0: {  	s12 =	sadd.s32 $0x2800, s11;
	[sflag:s7] =	ssyncadd.s32 $0xFFFFD800  }
0xa1: {  	[spmem:s18] =	stream.indirect.scatter.add.f32 [tilespmem:s2], [sflag:$0x5], $0x80, s12, s8, $0xb8;
	[tilespmem:$0x1F780] =	vst v63  }
0xa2: {  	_ =	swait.ge [sflag:s4], $0x2800  }
0xa3: {  	[sflag:s4] =	ssyncset.done $0x0  }
0xa4: {  	[sflag:s4] =	ssyncadd.s32 $0xFFFFD800  }
0xa5: {  	_ =	swait.ge [sflag:s6], $0x2800  }
0xa6: {  	[sflag:s6] =	ssyncset.done $0x0  }
0xa7: {  	s13 =	simm.s32 $0x6580;
	[sflag:s6] =	ssyncadd.s32 $0xFFFFD800  }
0xa8: {  	[spmem:s18] =	stream.indirect.scatter.add.f32 [tilespmem:s0], [sflag:$0x5], $0x80, s13, s8, $0xb8;
	[tilespmem:$0x1F780] =	vst v63  }
0xa9: {  	_ =	swait.ge [sflag:s4], $0x2800  }
0xaa: {  	[sflag:s4] =	ssyncset.done $0x0  }
0xab: {  	[sflag:s4] =	ssyncadd.s32 $0xFFFFD800  }
0xac: {  	[bflag:$0x0] =	sbarrier.arrive $0xFFFF  }
0xad: {  	[tilespmem:s0], [sflag:$0x3] =	stream.linear.gather [spmem:s23], $0x2800, $0x38;
	[tilespmem:$0x1F780] =	vst v63  }
0xae: {  	_ = 	snop  }
0xaf: {  	[tilespmem:s2], [sflag:$0x4] =	stream.linear.gather [spmem:s24], $0x2800, $0x38;
	[tilespmem:$0x1F780] =	vst v63  }
0xb0: {  	_ =	swait.ge [sflag:s3], $0x2800  }
0xb1: {  	[sflag:s3] =	ssyncset.done $0x0  }
0xb2: {  	s14 =	rddreg [dreg:$0xc];
	[sflag:s3] =	ssyncadd.s32 $0xFFFFD800  }
0xb3: {  	[hbm4b:s14+s1] =	stream.linear.scatter [tilespmem:s0], [sflag:$0x5], $0x2800, $0x38;
	[tilespmem:$0x1F780] =	vst v63  }
0xb4: {  	_ =	swait.ge [sflag:s4], $0x2800  }
0xb5: {  	[sflag:s4] =	ssyncset.done $0x0  }
0xb6: {  	[sflag:s4] =	ssyncadd.s32 $0xFFFFD800  }
0xb7: {  	[tilespmem:s0], [sflag:$0x3] =	stream.linear.gather [spmem:s25], $0x2800, $0x38;
	[tilespmem:$0x1F780] =	vst v63  }
0xb8: {  	_ =	swait.ge [sflag:s5], $0x2800  }
0xb9: {  	[sflag:s5] =	ssyncset.done $0x0  }
0xba: {  	s11 =	rddreg [dreg:$0xd];
	[sflag:s5] =	ssyncadd.s32 $0xFFFFD800  }
0xbb: {  	[hbm4b:s11+s1] =	stream.linear.scatter [tilespmem:s2], [sflag:$0x5], $0x2800, $0x38;
	[tilespmem:$0x1F780] =	vst v63  }
0xbc: {  	_ =	swait.ge [sflag:s4], $0x2800  }
0xbd: {  	[sflag:s4] =	ssyncset.done $0x0  }
0xbe: {  	[sflag:s4] =	ssyncadd.s32 $0xFFFFD800  }
0xbf: {  	[tilespmem:s2], [sflag:$0x4] =	stream.linear.gather [spmem:s26], $0x2800, $0x38;
	[tilespmem:$0x1F780] =	vst v63  }
0xc0: {  	_ =	swait.ge [sflag:s3], $0x2800  }
0xc1: {  	[sflag:s3] =	ssyncset.done $0x0  }
0xc2: {  	s12 =	rddreg [dreg:$0xe];
	[sflag:s3] =	ssyncadd.s32 $0xFFFFD800  }
0xc3: {  	[hbm4b:s12+s1] =	stream.linear.scatter [tilespmem:s0], [sflag:$0x5], $0x2800, $0x38;
	[tilespmem:$0x1F780] =	vst v63  }
0xc4: {  	_ =	swait.ge [sflag:s4], $0x2800  }
0xc5: {  	[sflag:s4] =	ssyncset.done $0x0  }
0xc6: {  	[sflag:s4] =	ssyncadd.s32 $0xFFFFD800  }
0xc7: {  	[tilespmem:s0], [sflag:$0x3] =	stream.linear.gather [spmem:s28], $0x2800, $0x38;
	[tilespmem:$0x1F780] =	vst v63  }
0xc8: {  	_ =	swait.ge [sflag:s5], $0x2800  }
0xc9: {  	[sflag:s5] =	ssyncset.done $0x0  }
0xca: {  	s13 =	rddreg [dreg:$0xf];
	[sflag:s5] =	ssyncadd.s32 $0xFFFFD800  }
0xcb: {  	[hbm4b:s13+s1] =	stream.linear.scatter [tilespmem:s2], [sflag:$0x5], $0x2800, $0x38;
	[tilespmem:$0x1F780] =	vst v63  }
0xcc: {  	_ =	swait.ge [sflag:s4], $0x2800  }
0xcd: {  	[sflag:s4] =	ssyncset.done $0x0  }
0xce: {  	[sflag:s4] =	ssyncadd.s32 $0xFFFFD800  }
0xcf: {  	[tilespmem:s2], [sflag:$0x4] =	stream.linear.gather [spmem:s29], $0x2800, $0x38;
	[tilespmem:$0x1F780] =	vst v63  }
0xd0: {  	_ =	swait.ge [sflag:s3], $0x2800  }
0xd1: {  	[sflag:s3] =	ssyncset.done $0x0  }
0xd2: {  	s14 =	rddreg [dreg:$0x10];
	[sflag:s3] =	ssyncadd.s32 $0xFFFFD800  }
0xd3: {  	[hbm4b:s14+s1] =	stream.linear.scatter [tilespmem:s0], [sflag:$0x5], $0x2800, $0x38;
	[tilespmem:$0x1F780] =	vst v63  }
0xd4: {  	_ =	swait.ge [sflag:s4], $0x2800  }
0xd5: {  	[sflag:s4] =	ssyncset.done $0x0  }
0xd6: {  	[sflag:s4] =	ssyncadd.s32 $0xFFFFD800  }
0xd7: {  	[tilespmem:s0], [sflag:$0x3] =	stream.linear.gather [spmem:s30], $0x2800, $0x38;
	[tilespmem:$0x1F780] =	vst v63  }
0xd8: {  	_ =	swait.ge [sflag:s5], $0x2800  }
0xd9: {  	[sflag:s5] =	ssyncset.done $0x0  }
0xda: {  	[sflag:s5] =	ssyncadd.s32 $0xFFFFD800  }
0xdb: {  	[hbm4b:s15+s1] =	stream.linear.scatter [tilespmem:s2], [sflag:$0x5], $0x2800, $0x38;
	[tilespmem:$0x1F780] =	vst v63  }
0xdc: {  	_ =	swait.ge [sflag:s4], $0x2800  }
0xdd: {  	[sflag:s4] =	ssyncset.done $0x0  }
0xde: {  	[sflag:s4] =	ssyncadd.s32 $0xFFFFD800  }
0xdf: {  	[tilespmem:s2], [sflag:$0x4] =	stream.linear.gather [spmem:s31], $0x2800, $0x38;
	[tilespmem:$0x1F780] =	vst v63  }
0xe0: {  	_ =	swait.ge [sflag:s3], $0x2800  }
0xe1: {  	[sflag:s3] =	ssyncset.done $0x0  }
0xe2: {  	[sflag:s3] =	ssyncadd.s32 $0xFFFFD800  }
0xe3: {  	[hbm4b:s19+s1] =	stream.linear.scatter [tilespmem:s0], [sflag:$0x5], $0x2800, $0x38;
	[tilespmem:$0x1F780] =	vst v63  }
0xe4: {  	_ =	swait.ge [sflag:s4], $0x2800  }
0xe5: {  	[sflag:s4] =	ssyncset.done $0x0  }
0xe6: {  	[sflag:s4] =	ssyncadd.s32 $0xFFFFD800  }
0xe7: {  	s9 =	sadd.s32 $0x1, s9;
	_ =	swait.ge [sflag:s5], $0x2800  }
0xe8: {  	p0 =	sne.s32 s9, s16;
	[sflag:s5] =	ssyncset.done $0x0  }
.Ltmp1:
0xe9: {  	[sflag:s5] =	ssyncadd.s32 $0xFFFFD800;
	(pc) =	sbr.rel @p0 .LBB2_1-.Ltmp1, $4  }
0xea: {  	[hbm4b:s20+s1] =	stream.linear.scatter [tilespmem:s2], [sflag:$0x5], $0x2800, $0x38;
	[tilespmem:$0x1F780] =	vst v63  }
0xeb: {  	_ =	swait.ge [sflag:s4], $0x2800  }
0xec: {  	[sflag:s4] =	ssyncset.done $0x0  }
0xed: {  	[sflag:s4] =	ssyncadd.s32 $0xFFFFD800  }
0xee: {  	_ =	sfence.sel $0x180000  }
0xef: {  	[bflag:$0x0] =	sbarrier.arrive $0xFFFF  }
0xf0: {  	_ =	strace $0x90000047  }
0xf1: {  	s0 =	stileid.u32;
	[bflag:$0x2] =	sbarrier.arrive $0xFFFF  }
0xf2: {  	p0 =	sne.s32 s0, $0x0;
	s0 =	rddreg [dreg:$0x3]  }
0xf3: {  	s0 =	sadd.s32 @!p0 $0x100000, s0  }
0xf4: {  	[sflag:s0] =	ssyncadd.tile.s32 @!p0 $0x1;
	_ =	shalt  }
.Lfunc_end2:
_tile_overlayer_lowered:
.L_overlay_start_2:
0xf5: {  	(tag) =	ssettag $0x2  }
0xf6: {  	s0 =	rddreg [dreg:$0x0];
	s2 =	stileid.u32  }
0xf7: {  	s1 =	rddreg [dreg:$0x1];
	p0 =	sne.s32 s2, $0x0  }
0xf8: {  	s3 =	rddreg [dreg:$0x2];
	[bflag:$0x3] =	sbarrier.arrive $0xFFFF;
	s2 =	simm.s32 @!p0 $0x1C05  }
0xf9: {  	[timem:s3], [sflag:s2] =	dma.local @!p0 [hbm:s0], s1  }
0xfa: {  	s0 =	simm.s32 @!p0 $0x5  }
0xfb: {  	_ =	swait.ge @!p0 [sflag:s0], s1  }
0xfc: {  	s1 =	ssub.s32 @!p0 $0x0, s1;
	[sflag:s0] =	ssyncset.done @!p0 $0x0  }
0xfd: {  	[sflag:s0] =	ssyncadd.s32 @!p0 s1  }
0xfe: {  	[bflag:$0x3] =	sbarrier.arrive $0xFFFF  }
0xff: {  	_ =	shalt  }

</sc_bundles>
